<compile_context>
chip_gen: v7x
topology: tpu7x:2x2x1
jax: 0.10.2.dev20260603
libtpu: 0.0.44.dev20260713+nightly
codegen_flags: <defaults>
</compile_context>

<pallas_src>
import functools

import jax
import jax.numpy as jnp
from jax import lax
from jax.experimental import pallas as pl
from jax.experimental.pallas import tpu as pltpu
from jax.experimental.pallas import tpu_sc as plsc

N_NODES = 10000
N_EDGES = 320000
IN_FEATS = 128
MLP_HIDDEN = 64
PROJ_FEATS = 64

NCORES = 2
NSUB = 16
HALF = N_NODES // NCORES
ACCR = 5120
G = 16
EPT = N_EDGES // NSUB
GPT = EPT // G
GPB = 250
NBB = GPT // GPB
NPT = ACCR // NSUB

_mesh = plsc.VectorSubcoreMesh(core_axis_name="c", subcore_axis_name="s")


def _sc_degrees_body(src_hbm, dst_hbm, out_hbm, sidx, didx, ones_s, ones_d, sem, acc):
    cid = lax.axis_index("c")
    sid = lax.axis_index("s")
    base = cid * HALF

    def fillz(i, carry):
        for k in range(8):
            ones_s[i, pl.ds(k * 16, 16)] = jnp.zeros((16,), jnp.float32)
        return carry

    lax.fori_loop(0, G, fillz, 0)

    def zero_chunk(k, carry):
        c = sid + k * NSUB
        pltpu.sync_copy(ones_s, acc.at[pl.ds(c * G, G)])
        return carry

    lax.fori_loop(0, ACCR // G // NSUB, zero_chunk, 0)

    def fill1(i, carry):
        for k in range(4):
            ones_s[i, pl.ds(k * 16, 16)] = jnp.full((16,), 1.0, jnp.float32)
            ones_d[i, pl.ds(k * 16, 16)] = jnp.zeros((16,), jnp.float32)
        for k in range(4, 8):
            ones_s[i, pl.ds(k * 16, 16)] = jnp.zeros((16,), jnp.float32)
            ones_d[i, pl.ds(k * 16, 16)] = jnp.full((16,), 1.0, jnp.float32)
        return carry

    lax.fori_loop(0, G, fill1, 0)
    plsc.subcore_barrier()

    def block(b, carry):
        pltpu.sync_copy(src_hbm.at[sid, b], sidx)
        pltpu.sync_copy(dst_hbm.at[sid, b], didx)

        def grp(p, carry2):
            iv_s = sidx[p] - base
            iv_s = jnp.where((iv_s >= 0) & (iv_s < HALF), iv_s, HALF)
            iv_d = didx[p] - base
            iv_d = jnp.where((iv_d >= 0) & (iv_d < HALF), iv_d, HALF)
            pltpu.async_copy(ones_s, acc.at[iv_s], sem, add=True)
            pltpu.async_copy(ones_d, acc.at[iv_d], sem, add=True)

            @pl.when(p >= 2)
            def _():
                pltpu.make_async_copy(ones_s, acc.at[iv_s], sem).wait()
                pltpu.make_async_copy(ones_d, acc.at[iv_d], sem).wait()

            return carry2

        lax.fori_loop(0, GPB, grp, 0)
        for _ in range(2):
            pltpu.make_async_copy(ones_s, acc.at[pl.ds(0, G)], sem).wait()
            pltpu.make_async_copy(ones_d, acc.at[pl.ds(0, G)], sem).wait()
        return carry

    lax.fori_loop(0, NBB, block, 0)
    plsc.subcore_barrier()
    pltpu.sync_copy(acc.at[pl.ds(sid * NPT, NPT)], out_hbm.at[cid, sid])


def _sc_segsum_body(src_hbm, dst_hbm, g_hbm, out_hbm, sidx, didx, bufa, bufb,
                    sema, semb, sems, acc):
    cid = lax.axis_index("c")
    sid = lax.axis_index("s")
    base = cid * HALF

    def fillz(i, carry):
        for k in range(8):
            bufa[i, pl.ds(k * 16, 16)] = jnp.zeros((16,), jnp.float32)
        return carry

    lax.fori_loop(0, G, fillz, 0)

    def zero_chunk(k, carry):
        c = sid + k * NSUB
        pltpu.sync_copy(bufa, acc.at[pl.ds(c * G, G)])
        return carry

    lax.fori_loop(0, ACCR // G // NSUB, zero_chunk, 0)
    plsc.subcore_barrier()

    def block(b, carry):
        pltpu.sync_copy(src_hbm.at[sid, b], sidx)
        pltpu.sync_copy(dst_hbm.at[sid, b], didx)

        pltpu.async_copy(g_hbm.at[sidx[0]], bufa, sema)
        pltpu.async_copy(g_hbm.at[sidx[1]], bufb, semb)

        def pair(t, carry2):
            p0 = 2 * t
            for off, buf, sem in ((0, bufa, sema), (1, bufb, semb)):
                p = p0 + off
                pltpu.make_async_copy(g_hbm.at[sidx[p]], buf, sem).wait()
                iv_d = didx[p] - base
                iv_d = jnp.where((iv_d >= 0) & (iv_d < HALF), iv_d, HALF)
                pltpu.async_copy(buf, acc.at[iv_d], sems, add=True)

                @pl.when(p + 2 < GPB)
                def _():
                    pltpu.make_async_copy(buf, acc.at[iv_d], sems).wait()
                    pltpu.async_copy(g_hbm.at[sidx[p + 2]], buf, sem)

                @pl.when(p + 2 >= GPB)
                def _():
                    pltpu.make_async_copy(buf, acc.at[iv_d], sems).wait()

            return carry2

        lax.fori_loop(0, GPB // 2, pair, 0)
        return carry

    lax.fori_loop(0, NBB, block, 0)
    plsc.subcore_barrier()
    pltpu.sync_copy(acc.at[pl.ds(sid * NPT, NPT)], out_hbm.at[cid, sid])


def _make_sc_kernels():
    deg = functools.partial(
        pl.kernel,
        out_type=jax.ShapeDtypeStruct((NCORES, NSUB, NPT, 128), jnp.float32),
        mesh=_mesh,
        scratch_types=[
            pltpu.VMEM((GPB, G), jnp.int32),
            pltpu.VMEM((GPB, G), jnp.int32),
            pltpu.VMEM((G, 128), jnp.float32),
            pltpu.VMEM((G, 128), jnp.float32),
            pltpu.SemaphoreType.DMA,
            pltpu.VMEM_SHARED((ACCR, 128), jnp.float32),
        ],
    )(_sc_degrees_body)
    seg = functools.partial(
        pl.kernel,
        out_type=jax.ShapeDtypeStruct((NCORES, NSUB, NPT, 128), jnp.float32),
        mesh=_mesh,
        scratch_types=[
            pltpu.VMEM((GPB, G), jnp.int32),
            pltpu.VMEM((GPB, G), jnp.int32),
            pltpu.VMEM((G, 128), jnp.float32),
            pltpu.VMEM((G, 128), jnp.float32),
            pltpu.SemaphoreType.DMA,
            pltpu.SemaphoreType.DMA,
            pltpu.SemaphoreType.DMA,
            pltpu.VMEM_SHARED((ACCR, 128), jnp.float32),
        ],
    )(_sc_segsum_body)
    return deg, seg


_sc_degrees, _sc_segsum = _make_sc_kernels()


def _tc_g_body(x_ref, degp_ref, W1_ref, g_ref):
    deg = jnp.concatenate(
        [degp_ref[0, :HALF, 0:1], degp_ref[1, :HALF, 0:1]], axis=0)
    ns = jnp.where(deg > 0, lax.rsqrt(deg), 0.0)
    g_ref[...] = jnp.dot(x_ref[...] * ns, W1_ref[...],
                         precision=lax.Precision.HIGHEST)


def _tc_head_body(segp_ref, degp_ref, b1_ref, Wp1_ref, bp1_ref, gamma_ref,
                  beta_ref, Wp2_ref, bp2_ref, out_ref):
    seg = jnp.concatenate([segp_ref[0, :HALF, :], segp_ref[1, :HALF, :]], axis=0)
    deg = jnp.concatenate(
        [degp_ref[0, :HALF, 64:65], degp_ref[1, :HALF, 64:65]], axis=0)
    nd = jnp.where(deg > 0, lax.rsqrt(deg), 0.0)
    c = jnp.dot(b1_ref[...], Wp1_ref[...],
                precision=lax.Precision.HIGHEST) + bp1_ref[...]
    z = jnp.dot(seg * nd, Wp1_ref[...], precision=lax.Precision.HIGHEST) + c
    mean = jnp.mean(z, axis=0, keepdims=True)
    var = jnp.mean((z - mean) ** 2, axis=0, keepdims=True)
    z = (z - mean) / jnp.sqrt(var + 1e-5) * gamma_ref[...] + beta_ref[...]
    z = jnp.maximum(z, 0.0)
    out_ref[...] = jnp.dot(z, Wp2_ref[...],
                           precision=lax.Precision.HIGHEST) + bp2_ref[...]


def kernel(x, edge_index, W1, b1, Wp1, bp1, gamma, beta, Wp2, bp2):
    src4 = edge_index[0].reshape(NSUB, NBB, GPB, G)
    dst4 = edge_index[1].reshape(NSUB, NBB, GPB, G)

    degp = _sc_degrees(src4, dst4).reshape(NCORES, ACCR, 128)

    g = pl.pallas_call(
        _tc_g_body,
        out_shape=jax.ShapeDtypeStruct((N_NODES, IN_FEATS), jnp.float32),
    )(x, degp, W1)

    segp = _sc_segsum(src4, dst4, g).reshape(NCORES, ACCR, 128)

    out = pl.pallas_call(
        _tc_head_body,
        out_shape=jax.ShapeDtypeStruct((N_NODES, PROJ_FEATS), jnp.float32),
    )(segp, degp, b1.reshape(1, IN_FEATS), Wp1, bp1.reshape(1, MLP_HIDDEN),
      gamma.reshape(1, MLP_HIDDEN), beta.reshape(1, MLP_HIDDEN), Wp2,
      bp2.reshape(1, PROJ_FEATS))
    return out

# --- scband reference (transcript-rebuilt; emitter-appended) ---
"""Pipeline reference for scband-encoder-52192442581576 (READ-ONLY COPY).

The authoritative reference and input builder live on the scoring server;
editing this copy changes nothing except your own understanding.
"""

import jax, jax.numpy as jnp
import numpy as np

N_NODES = 10000
N_EDGES = 320000
IN_FEATS = 128
HID_FEATS = 128
MLP_HIDDEN = 64
PROJ = 64


def setup_inputs(seed: int = 0) -> dict:
    key = jax.random.key(seed)
    ks = jax.random.split(key, 12)
    x = jax.random.normal(ks[0], (N_NODES, IN_FEATS), dtype=jnp.float32)
    edge_index = jax.random.randint(ks[1], (2, N_EDGES), 0, N_NODES, dtype=jnp.int64 if jax.config.jax_enable_x64 else jnp.int32).astype(jnp.int32)
    # GraphConv (DGL-style, norm='both') weight + bias
    W1 = jax.random.normal(ks[2], (IN_FEATS, HID_FEATS), dtype=jnp.float32) * (1.0 / np.sqrt(IN_FEATS))
    b1 = jnp.zeros((HID_FEATS,), dtype=jnp.float32)
    # projection MLPHead: Linear -> BatchNorm1d -> ReLU -> Linear
    Wp1 = jax.random.normal(ks[3], (HID_FEATS, MLP_HIDDEN), dtype=jnp.float32) * (1.0 / np.sqrt(HID_FEATS))
    bp1 = jnp.zeros((MLP_HIDDEN,), dtype=jnp.float32)
    gamma = jnp.ones((MLP_HIDDEN,), dtype=jnp.float32)
    beta = jnp.zeros((MLP_HIDDEN,), dtype=jnp.float32)
    Wp2 = jax.random.normal(ks[4], (MLP_HIDDEN, PROJ), dtype=jnp.float32) * (1.0 / np.sqrt(MLP_HIDDEN))
    bp2 = jnp.zeros((PROJ,), dtype=jnp.float32)
    return {"x": x, "edge_index": edge_index, "W1": W1, "b1": b1,
            "Wp1": Wp1, "bp1": bp1, "gamma": gamma, "beta": beta,
            "Wp2": Wp2, "bp2": bp2}


def reference(x, edge_index, W1, b1, Wp1, bp1, gamma, beta, Wp2, bp2):
    n = x.shape[0]
    src = edge_index[0]
    dst = edge_index[1]
    # symmetric normalization (DGL GraphConv norm='both')
    ones = jnp.ones((src.shape[0],), dtype=x.dtype)
    deg_out = jnp.zeros((n,), dtype=x.dtype).at[src].add(ones)
    deg_in = jnp.zeros((n,), dtype=x.dtype).at[dst].add(ones)
    norm_src = jnp.where(deg_out > 0, deg_out ** -0.5, 0.0)
    norm_dst = jnp.where(deg_in > 0, deg_in ** -0.5, 0.0)
    h = x * norm_src[:, None]
    # gather messages from src, scatter-add to dst
    agg = jax.ops.segment_sum(h[src], dst, num_segments=n)
    h = agg * norm_dst[:, None]
    h = h @ W1 + b1
    # projection head: Linear -> BatchNorm1d (training-mode batch stats) -> ReLU -> Linear
    z = h @ Wp1 + bp1
    mean = jnp.mean(z, axis=0)
    var = jnp.var(z, axis=0)
    z = (z - mean) / jnp.sqrt(var + 1e-5) * gamma + beta
    z = jax.nn.relu(z)
    out = z @ Wp2 + bp2
    return out

if __name__ == "__main__":
    import jax
    _d = setup_inputs()
    print(jax.jit(kernel)(*tuple(_d.values())))

</pallas_src>

<mosaic_0001>
#map = affine_map<(d0, d1) -> (0, 0, 0, 0)>
module attributes {stable_mosaic.version = 14 : i64} {
  func.func @_sc_degrees_body(%arg0: i32, %arg1: i32, %arg2: memref<16x5x250x16xi32, #tpu.memory_space<hbm>>, %arg3: memref<16x5x250x16xi32, #tpu.memory_space<hbm>>, %arg4: memref<2x16x320x128xf32, #tpu.memory_space<hbm>>, %arg5: memref<250x16xi32, #tpu.memory_space<vmem>>, %arg6: memref<250x16xi32, #tpu.memory_space<vmem>>, %arg7: memref<16x128xf32, #tpu.memory_space<vmem>>, %arg8: memref<16x128xf32, #tpu.memory_space<vmem>>, %arg9: memref<!tpu.dma_semaphore, #tpu.memory_space<semaphore_mem>>, %arg10: memref<5120x128xf32, #tpu.memory_space<vmem_shared>>) attributes {dimension_semantics = [#tpu.dimension_semantics<core_parallel>, #tpu.dimension_semantics<subcore_parallel>], iteration_bounds = array<i64: 2, 16>, scalar_prefetch = 0 : i64, scratch_operands = 6 : i64, tpu.core_type = #tpu.core_type<sc_vector_subcore>, window_params = [{transform_indices = #map}, {transform_indices = #map}, {transform_indices = #map}]} {
    %mul3A = arith.constant 5000 : i32
    %mul3A_0 = arith.muli %arg0, %mul3A : i32
    %scan3A = arith.constant 0 : i32
    %scan3A_1 = arith.constant 0 : i32
    %scan3A_2 = arith.constant 16 : i32
    %scan3A_3 = arith.addi %scan3A_1, %scan3A_2 : i32
    %scan3A_4 = arith.constant 1 : i32
    scf.for %scan3A_27 = %scan3A_1 to %scan3A_3 step %scan3A_4  : i32 {
      %broadcast_in_dim3A = arith.constant 0.000000e+00 : f32
      %broadcast_in_dim3A_28 = vector.broadcast %broadcast_in_dim3A : f32 to vector<16xf32>
      %swap3A = arith.index_cast %scan3A_27 : i32 to index
      %swap3A_29 = arith.constant 0 : index
      %swap3A_30 = tpu.vector_load %arg7[%swap3A, %swap3A_29] {strides = array<i32>} : memref<16x128xf32, #tpu.memory_space<vmem>>, vector<1x16xf32>,
      %swap3A_31 = vector.shape_cast %swap3A_30 : vector<1x16xf32> to vector<16xf32>
      %swap3A_32 = vector.shape_cast %broadcast_in_dim3A_28 : vector<16xf32> to vector<1x16xf32>
      tpu.vector_store %arg7[%swap3A, %swap3A_29], %swap3A_32 {strides = array<i32>} : memref<16x128xf32, #tpu.memory_space<vmem>>, vector<1x16xf32>,
      %broadcast_in_dim3A_33 = arith.constant 0.000000e+00 : f32
      %broadcast_in_dim3A_34 = vector.broadcast %broadcast_in_dim3A_33 : f32 to vector<16xf32>
      %swap3A_35 = arith.index_cast %scan3A_27 : i32 to index
      %swap3A_36 = arith.constant 16 : index
      %swap3A_37 = tpu.vector_load %arg7[%swap3A_35, %swap3A_36] {strides = array<i32>} : memref<16x128xf32, #tpu.memory_space<vmem>>, vector<1x16xf32>,
      %swap3A_38 = vector.shape_cast %swap3A_37 : vector<1x16xf32> to vector<16xf32>
      %swap3A_39 = vector.shape_cast %broadcast_in_dim3A_34 : vector<16xf32> to vector<1x16xf32>
      tpu.vector_store %arg7[%swap3A_35, %swap3A_36], %swap3A_39 {strides = array<i32>} : memref<16x128xf32, #tpu.memory_space<vmem>>, vector<1x16xf32>,
      %broadcast_in_dim3A_40 = arith.constant 0.000000e+00 : f32
      %broadcast_in_dim3A_41 = vector.broadcast %broadcast_in_dim3A_40 : f32 to vector<16xf32>
      %swap3A_42 = arith.index_cast %scan3A_27 : i32 to index
      %swap3A_43 = arith.constant 32 : index
      %swap3A_44 = tpu.vector_load %arg7[%swap3A_42, %swap3A_43] {strides = array<i32>} : memref<16x128xf32, #tpu.memory_space<vmem>>, vector<1x16xf32>,
      %swap3A_45 = vector.shape_cast %swap3A_44 : vector<1x16xf32> to vector<16xf32>
      %swap3A_46 = vector.shape_cast %broadcast_in_dim3A_41 : vector<16xf32> to vector<1x16xf32>
      tpu.vector_store %arg7[%swap3A_42, %swap3A_43], %swap3A_46 {strides = array<i32>} : memref<16x128xf32, #tpu.memory_space<vmem>>, vector<1x16xf32>,
      %broadcast_in_dim3A_47 = arith.constant 0.000000e+00 : f32
      %broadcast_in_dim3A_48 = vector.broadcast %broadcast_in_dim3A_47 : f32 to vector<16xf32>
      %swap3A_49 = arith.index_cast %scan3A_27 : i32 to index
      %swap3A_50 = arith.constant 48 : index
      %swap3A_51 = tpu.vector_load %arg7[%swap3A_49, %swap3A_50] {strides = array<i32>} : memref<16x128xf32, #tpu.memory_space<vmem>>, vector<1x16xf32>,
      %swap3A_52 = vector.shape_cast %swap3A_51 : vector<1x16xf32> to vector<16xf32>
      %swap3A_53 = vector.shape_cast %broadcast_in_dim3A_48 : vector<16xf32> to vector<1x16xf32>
      tpu.vector_store %arg7[%swap3A_49, %swap3A_50], %swap3A_53 {strides = array<i32>} : memref<16x128xf32, #tpu.memory_space<vmem>>, vector<1x16xf32>,
      %broadcast_in_dim3A_54 = arith.constant 0.000000e+00 : f32
      %broadcast_in_dim3A_55 = vector.broadcast %broadcast_in_dim3A_54 : f32 to vector<16xf32>
      %swap3A_56 = arith.index_cast %scan3A_27 : i32 to index
      %swap3A_57 = arith.constant 64 : index
      %swap3A_58 = tpu.vector_load %arg7[%swap3A_56, %swap3A_57] {strides = array<i32>} : memref<16x128xf32, #tpu.memory_space<vmem>>, vector<1x16xf32>,
      %swap3A_59 = vector.shape_cast %swap3A_58 : vector<1x16xf32> to vector<16xf32>
      %swap3A_60 = vector.shape_cast %broadcast_in_dim3A_55 : vector<16xf32> to vector<1x16xf32>
      tpu.vector_store %arg7[%swap3A_56, %swap3A_57], %swap3A_60 {strides = array<i32>} : memref<16x128xf32, #tpu.memory_space<vmem>>, vector<1x16xf32>,
      %broadcast_in_dim3A_61 = arith.constant 0.000000e+00 : f32
      %broadcast_in_dim3A_62 = vector.broadcast %broadcast_in_dim3A_61 : f32 to vector<16xf32>
      %swap3A_63 = arith.index_cast %scan3A_27 : i32 to index
      %swap3A_64 = arith.constant 80 : index
      %swap3A_65 = tpu.vector_load %arg7[%swap3A_63, %swap3A_64] {strides = array<i32>} : memref<16x128xf32, #tpu.memory_space<vmem>>, vector<1x16xf32>,
      %swap3A_66 = vector.shape_cast %swap3A_65 : vector<1x16xf32> to vector<16xf32>
      %swap3A_67 = vector.shape_cast %broadcast_in_dim3A_62 : vector<16xf32> to vector<1x16xf32>
      tpu.vector_store %arg7[%swap3A_63, %swap3A_64], %swap3A_67 {strides = array<i32>} : memref<16x128xf32, #tpu.memory_space<vmem>>, vector<1x16xf32>,
      %broadcast_in_dim3A_68 = arith.constant 0.000000e+00 : f32
      %broadcast_in_dim3A_69 = vector.broadcast %broadcast_in_dim3A_68 : f32 to vector<16xf32>
      %swap3A_70 = arith.index_cast %scan3A_27 : i32 to index
      %swap3A_71 = arith.constant 96 : index
      %swap3A_72 = tpu.vector_load %arg7[%swap3A_70, %swap3A_71] {strides = array<i32>} : memref<16x128xf32, #tpu.memory_space<vmem>>, vector<1x16xf32>,
      %swap3A_73 = vector.shape_cast %swap3A_72 : vector<1x16xf32> to vector<16xf32>
      %swap3A_74 = vector.shape_cast %broadcast_in_dim3A_69 : vector<16xf32> to vector<1x16xf32>
      tpu.vector_store %arg7[%swap3A_70, %swap3A_71], %swap3A_74 {strides = array<i32>} : memref<16x128xf32, #tpu.memory_space<vmem>>, vector<1x16xf32>,
      %broadcast_in_dim3A_75 = arith.constant 0.000000e+00 : f32
      %broadcast_in_dim3A_76 = vector.broadcast %broadcast_in_dim3A_75 : f32 to vector<16xf32>
      %swap3A_77 = arith.index_cast %scan3A_27 : i32 to index
      %swap3A_78 = arith.constant 112 : index
      %swap3A_79 = tpu.vector_load %arg7[%swap3A_77, %swap3A_78] {strides = array<i32>} : memref<16x128xf32, #tpu.memory_space<vmem>>, vector<1x16xf32>,
      %swap3A_80 = vector.shape_cast %swap3A_79 : vector<1x16xf32> to vector<16xf32>
      %swap3A_81 = vector.shape_cast %broadcast_in_dim3A_76 : vector<16xf32> to vector<1x16xf32>
      tpu.vector_store %arg7[%swap3A_77, %swap3A_78], %swap3A_81 {strides = array<i32>} : memref<16x128xf32, #tpu.memory_space<vmem>>, vector<1x16xf32>,
    }
    %scan3A_5 = arith.constant 16 : i32
    %scan3A_6 = arith.constant 0 : i32
    %scan3A_7 = arith.constant 0 : i32
    %scan3A_8 = arith.constant 20 : i32
    %scan3A_9 = arith.addi %scan3A_7, %scan3A_8 : i32
    %scan3A_10 = arith.constant 1 : i32
    scf.for %scan3A_27 = %scan3A_7 to %scan3A_9 step %scan3A_10  : i32 {
      %mul3A_28 = arith.constant 16 : i32
      %mul3A_29 = arith.muli %scan3A_27, %mul3A_28 : i32
      %add3A = arith.addi %arg1, %mul3A_29 : i32
      %mul3A_30 = arith.constant 16 : i32
      %mul3A_31 = arith.muli %add3A, %mul3A_30 : i32
      "tpu.region"() ({
        %run_scoped3A = tpu.sem_alloc : memref<!tpu.dma_semaphore, #tpu.memory_space<semaphore_mem>>
        %dma_start3A = arith.constant 0 : i32
        %dma_start3A_32 = tpu.memref_slice %arg10[%mul3A_31, %dma_start3A] : memref<5120x128xf32, #tpu.memory_space<vmem_shared>> -> memref<16x128xf32, #tpu.memory_space<vmem_shared>>
        %dma_start3A_33 = arith.constant 0 : i32
        %dma_start3A_34 = tpu.memref_slice %arg10[%mul3A_31, %dma_start3A_33] : memref<5120x128xf32, #tpu.memory_space<vmem_shared>> -> memref<16x128xf32, #tpu.memory_space<vmem_shared>>
        tpu.enqueue_dma source(%arg7 : memref<16x128xf32, #tpu.memory_space<vmem>>) target(%dma_start3A_34 : memref<16x128xf32, #tpu.memory_space<vmem_shared>>) target_semaphore(%run_scoped3A : memref<!tpu.dma_semaphore, #tpu.memory_space<semaphore_mem>>)
        %dma_wait3A = arith.constant 0 : i32
        %dma_wait3A_35 = tpu.memref_slice %arg10[%mul3A_31, %dma_wait3A] : memref<5120x128xf32, #tpu.memory_space<vmem_shared>> -> memref<16x128xf32, #tpu.memory_space<vmem_shared>>
        %dma_wait3A_36 = arith.constant 0 : i32
        %dma_wait3A_37 = tpu.memref_slice %arg10[%mul3A_31, %dma_wait3A_36] : memref<5120x128xf32, #tpu.memory_space<vmem_shared>> -> memref<16x128xf32, #tpu.memory_space<vmem_shared>>
        tpu.wait_dma2 semaphore(%run_scoped3A : memref<!tpu.dma_semaphore, #tpu.memory_space<semaphore_mem>>) src(%arg7 : memref<16x128xf32, #tpu.memory_space<vmem>>) dst(%dma_wait3A_37 : memref<16x128xf32, #tpu.memory_space<vmem_shared>>)
        tpu.yield
      }) : () -> ()
    }
    %scan3A_11 = arith.constant 20 : i32
    %scan3A_12 = arith.constant 0 : i32
    %scan3A_13 = arith.constant 0 : i32
    %scan3A_14 = arith.constant 16 : i32
    %scan3A_15 = arith.addi %scan3A_13, %scan3A_14 : i32
    %scan3A_16 = arith.constant 1 : i32
    scf.for %scan3A_27 = %scan3A_13 to %scan3A_15 step %scan3A_16  : i32 {
      %broadcast_in_dim3A = arith.constant 1.000000e+00 : f32
      %broadcast_in_dim3A_28 = vector.broadcast %broadcast_in_dim3A : f32 to vector<16xf32>
      %swap3A = arith.index_cast %scan3A_27 : i32 to index
      %swap3A_29 = arith.constant 0 : index
      %swap3A_30 = tpu.vector_load %arg7[%swap3A, %swap3A_29] {strides = array<i32>} : memref<16x128xf32, #tpu.memory_space<vmem>>, vector<1x16xf32>,
      %swap3A_31 = vector.shape_cast %swap3A_30 : vector<1x16xf32> to vector<16xf32>
      %swap3A_32 = vector.shape_cast %broadcast_in_dim3A_28 : vector<16xf32> to vector<1x16xf32>
      tpu.vector_store %arg7[%swap3A, %swap3A_29], %swap3A_32 {strides = array<i32>} : memref<16x128xf32, #tpu.memory_space<vmem>>, vector<1x16xf32>,
      %broadcast_in_dim3A_33 = arith.constant 0.000000e+00 : f32
      %broadcast_in_dim3A_34 = vector.broadcast %broadcast_in_dim3A_33 : f32 to vector<16xf32>
      %swap3A_35 = arith.index_cast %scan3A_27 : i32 to index
      %swap3A_36 = arith.constant 0 : index
      %swap3A_37 = tpu.vector_load %arg8[%swap3A_35, %swap3A_36] {strides = array<i32>} : memref<16x128xf32, #tpu.memory_space<vmem>>, vector<1x16xf32>,
      %swap3A_38 = vector.shape_cast %swap3A_37 : vector<1x16xf32> to vector<16xf32>
      %swap3A_39 = vector.shape_cast %broadcast_in_dim3A_34 : vector<16xf32> to vector<1x16xf32>
      tpu.vector_store %arg8[%swap3A_35, %swap3A_36], %swap3A_39 {strides = array<i32>} : memref<16x128xf32, #tpu.memory_space<vmem>>, vector<1x16xf32>,
      %broadcast_in_dim3A_40 = arith.constant 1.000000e+00 : f32
      %broadcast_in_dim3A_41 = vector.broadcast %broadcast_in_dim3A_40 : f32 to vector<16xf32>
      %swap3A_42 = arith.index_cast %scan3A_27 : i32 to index
      %swap3A_43 = arith.constant 16 : index
      %swap3A_44 = tpu.vector_load %arg7[%swap3A_42, %swap3A_43] {strides = array<i32>} : memref<16x128xf32, #tpu.memory_space<vmem>>, vector<1x16xf32>,
      %swap3A_45 = vector.shape_cast %swap3A_44 : vector<1x16xf32> to vector<16xf32>
      %swap3A_46 = vector.shape_cast %broadcast_in_dim3A_41 : vector<16xf32> to vector<1x16xf32>
      tpu.vector_store %arg7[%swap3A_42, %swap3A_43], %swap3A_46 {strides = array<i32>} : memref<16x128xf32, #tpu.memory_space<vmem>>, vector<1x16xf32>,
      %broadcast_in_dim3A_47 = arith.constant 0.000000e+00 : f32
      %broadcast_in_dim3A_48 = vector.broadcast %broadcast_in_dim3A_47 : f32 to vector<16xf32>
      %swap3A_49 = arith.index_cast %scan3A_27 : i32 to index
      %swap3A_50 = arith.constant 16 : index
      %swap3A_51 = tpu.vector_load %arg8[%swap3A_49, %swap3A_50] {strides = array<i32>} : memref<16x128xf32, #tpu.memory_space<vmem>>, vector<1x16xf32>,
      %swap3A_52 = vector.shape_cast %swap3A_51 : vector<1x16xf32> to vector<16xf32>
      %swap3A_53 = vector.shape_cast %broadcast_in_dim3A_48 : vector<16xf32> to vector<1x16xf32>
      tpu.vector_store %arg8[%swap3A_49, %swap3A_50], %swap3A_53 {strides = array<i32>} : memref<16x128xf32, #tpu.memory_space<vmem>>, vector<1x16xf32>,
      %broadcast_in_dim3A_54 = arith.constant 1.000000e+00 : f32
      %broadcast_in_dim3A_55 = vector.broadcast %broadcast_in_dim3A_54 : f32 to vector<16xf32>
      %swap3A_56 = arith.index_cast %scan3A_27 : i32 to index
      %swap3A_57 = arith.constant 32 : index
      %swap3A_58 = tpu.vector_load %arg7[%swap3A_56, %swap3A_57] {strides = array<i32>} : memref<16x128xf32, #tpu.memory_space<vmem>>, vector<1x16xf32>,
      %swap3A_59 = vector.shape_cast %swap3A_58 : vector<1x16xf32> to vector<16xf32>
      %swap3A_60 = vector.shape_cast %broadcast_in_dim3A_55 : vector<16xf32> to vector<1x16xf32>
      tpu.vector_store %arg7[%swap3A_56, %swap3A_57], %swap3A_60 {strides = array<i32>} : memref<16x128xf32, #tpu.memory_space<vmem>>, vector<1x16xf32>,
      %broadcast_in_dim3A_61 = arith.constant 0.000000e+00 : f32
      %broadcast_in_dim3A_62 = vector.broadcast %broadcast_in_dim3A_61 : f32 to vector<16xf32>
      %swap3A_63 = arith.index_cast %scan3A_27 : i32 to index
      %swap3A_64 = arith.constant 32 : index
      %swap3A_65 = tpu.vector_load %arg8[%swap3A_63, %swap3A_64] {strides = array<i32>} : memref<16x128xf32, #tpu.memory_space<vmem>>, vector<1x16xf32>,
      %swap3A_66 = vector.shape_cast %swap3A_65 : vector<1x16xf32> to vector<16xf32>
      %swap3A_67 = vector.shape_cast %broadcast_in_dim3A_62 : vector<16xf32> to vector<1x16xf32>
      tpu.vector_store %arg8[%swap3A_63, %swap3A_64], %swap3A_67 {strides = array<i32>} : memref<16x128xf32, #tpu.memory_space<vmem>>, vector<1x16xf32>,
      %broadcast_in_dim3A_68 = arith.constant 1.000000e+00 : f32
      %broadcast_in_dim3A_69 = vector.broadcast %broadcast_in_dim3A_68 : f32 to vector<16xf32>
      %swap3A_70 = arith.index_cast %scan3A_27 : i32 to index
      %swap3A_71 = arith.constant 48 : index
      %swap3A_72 = tpu.vector_load %arg7[%swap3A_70, %swap3A_71] {strides = array<i32>} : memref<16x128xf32, #tpu.memory_space<vmem>>, vector<1x16xf32>,
      %swap3A_73 = vector.shape_cast %swap3A_72 : vector<1x16xf32> to vector<16xf32>
      %swap3A_74 = vector.shape_cast %broadcast_in_dim3A_69 : vector<16xf32> to vector<1x16xf32>
      tpu.vector_store %arg7[%swap3A_70, %swap3A_71], %swap3A_74 {strides = array<i32>} : memref<16x128xf32, #tpu.memory_space<vmem>>, vector<1x16xf32>,
      %broadcast_in_dim3A_75 = arith.constant 0.000000e+00 : f32
      %broadcast_in_dim3A_76 = vector.broadcast %broadcast_in_dim3A_75 : f32 to vector<16xf32>
      %swap3A_77 = arith.index_cast %scan3A_27 : i32 to index
      %swap3A_78 = arith.constant 48 : index
      %swap3A_79 = tpu.vector_load %arg8[%swap3A_77, %swap3A_78] {strides = array<i32>} : memref<16x128xf32, #tpu.memory_space<vmem>>, vector<1x16xf32>,
      %swap3A_80 = vector.shape_cast %swap3A_79 : vector<1x16xf32> to vector<16xf32>
      %swap3A_81 = vector.shape_cast %broadcast_in_dim3A_76 : vector<16xf32> to vector<1x16xf32>
      tpu.vector_store %arg8[%swap3A_77, %swap3A_78], %swap3A_81 {strides = array<i32>} : memref<16x128xf32, #tpu.memory_space<vmem>>, vector<1x16xf32>,
      %broadcast_in_dim3A_82 = arith.constant 0.000000e+00 : f32
      %broadcast_in_dim3A_83 = vector.broadcast %broadcast_in_dim3A_82 : f32 to vector<16xf32>
      %swap3A_84 = arith.index_cast %scan3A_27 : i32 to index
      %swap3A_85 = arith.constant 64 : index
      %swap3A_86 = tpu.vector_load %arg7[%swap3A_84, %swap3A_85] {strides = array<i32>} : memref<16x128xf32, #tpu.memory_space<vmem>>, vector<1x16xf32>,
      %swap3A_87 = vector.shape_cast %swap3A_86 : vector<1x16xf32> to vector<16xf32>
      %swap3A_88 = vector.shape_cast %broadcast_in_dim3A_83 : vector<16xf32> to vector<1x16xf32>
      tpu.vector_store %arg7[%swap3A_84, %swap3A_85], %swap3A_88 {strides = array<i32>} : memref<16x128xf32, #tpu.memory_space<vmem>>, vector<1x16xf32>,
      %broadcast_in_dim3A_89 = arith.constant 1.000000e+00 : f32
      %broadcast_in_dim3A_90 = vector.broadcast %broadcast_in_dim3A_89 : f32 to vector<16xf32>
      %swap3A_91 = arith.index_cast %scan3A_27 : i32 to index
      %swap3A_92 = arith.constant 64 : index
      %swap3A_93 = tpu.vector_load %arg8[%swap3A_91, %swap3A_92] {strides = array<i32>} : memref<16x128xf32, #tpu.memory_space<vmem>>, vector<1x16xf32>,
      %swap3A_94 = vector.shape_cast %swap3A_93 : vector<1x16xf32> to vector<16xf32>
      %swap3A_95 = vector.shape_cast %broadcast_in_dim3A_90 : vector<16xf32> to vector<1x16xf32>
      tpu.vector_store %arg8[%swap3A_91, %swap3A_92], %swap3A_95 {strides = array<i32>} : memref<16x128xf32, #tpu.memory_space<vmem>>, vector<1x16xf32>,
      %broadcast_in_dim3A_96 = arith.constant 0.000000e+00 : f32
      %broadcast_in_dim3A_97 = vector.broadcast %broadcast_in_dim3A_96 : f32 to vector<16xf32>
      %swap3A_98 = arith.index_cast %scan3A_27 : i32 to index
      %swap3A_99 = arith.constant 80 : index
      %swap3A_100 = tpu.vector_load %arg7[%swap3A_98, %swap3A_99] {strides = array<i32>} : memref<16x128xf32, #tpu.memory_space<vmem>>, vector<1x16xf32>,
      %swap3A_101 = vector.shape_cast %swap3A_100 : vector<1x16xf32> to vector<16xf32>
      %swap3A_102 = vector.shape_cast %broadcast_in_dim3A_97 : vector<16xf32> to vector<1x16xf32>
      tpu.vector_store %arg7[%swap3A_98, %swap3A_99], %swap3A_102 {strides = array<i32>} : memref<16x128xf32, #tpu.memory_space<vmem>>, vector<1x16xf32>,
      %broadcast_in_dim3A_103 = arith.constant 1.000000e+00 : f32
      %broadcast_in_dim3A_104 = vector.broadcast %broadcast_in_dim3A_103 : f32 to vector<16xf32>
      %swap3A_105 = arith.index_cast %scan3A_27 : i32 to index
      %swap3A_106 = arith.constant 80 : index
      %swap3A_107 = tpu.vector_load %arg8[%swap3A_105, %swap3A_106] {strides = array<i32>} : memref<16x128xf32, #tpu.memory_space<vmem>>, vector<1x16xf32>,
      %swap3A_108 = vector.shape_cast %swap3A_107 : vector<1x16xf32> to vector<16xf32>
      %swap3A_109 = vector.shape_cast %broadcast_in_dim3A_104 : vector<16xf32> to vector<1x16xf32>
      tpu.vector_store %arg8[%swap3A_105, %swap3A_106], %swap3A_109 {strides = array<i32>} : memref<16x128xf32, #tpu.memory_space<vmem>>, vector<1x16xf32>,
      %broadcast_in_dim3A_110 = arith.constant 0.000000e+00 : f32
      %broadcast_in_dim3A_111 = vector.broadcast %broadcast_in_dim3A_110 : f32 to vector<16xf32>
      %swap3A_112 = arith.index_cast %scan3A_27 : i32 to index
      %swap3A_113 = arith.constant 96 : index
      %swap3A_114 = tpu.vector_load %arg7[%swap3A_112, %swap3A_113] {strides = array<i32>} : memref<16x128xf32, #tpu.memory_space<vmem>>, vector<1x16xf32>,
      %swap3A_115 = vector.shape_cast %swap3A_114 : vector<1x16xf32> to vector<16xf32>
      %swap3A_116 = vector.shape_cast %broadcast_in_dim3A_111 : vector<16xf32> to vector<1x16xf32>
      tpu.vector_store %arg7[%swap3A_112, %swap3A_113], %swap3A_116 {strides = array<i32>} : memref<16x128xf32, #tpu.memory_space<vmem>>, vector<1x16xf32>,
      %broadcast_in_dim3A_117 = arith.constant 1.000000e+00 : f32
      %broadcast_in_dim3A_118 = vector.broadcast %broadcast_in_dim3A_117 : f32 to vector<16xf32>
      %swap3A_119 = arith.index_cast %scan3A_27 : i32 to index
      %swap3A_120 = arith.constant 96 : index
      %swap3A_121 = tpu.vector_load %arg8[%swap3A_119, %swap3A_120] {strides = array<i32>} : memref<16x128xf32, #tpu.memory_space<vmem>>, vector<1x16xf32>,
      %swap3A_122 = vector.shape_cast %swap3A_121 : vector<1x16xf32> to vector<16xf32>
      %swap3A_123 = vector.shape_cast %broadcast_in_dim3A_118 : vector<16xf32> to vector<1x16xf32>
      tpu.vector_store %arg8[%swap3A_119, %swap3A_120], %swap3A_123 {strides = array<i32>} : memref<16x128xf32, #tpu.memory_space<vmem>>, vector<1x16xf32>,
      %broadcast_in_dim3A_124 = arith.constant 0.000000e+00 : f32
      %broadcast_in_dim3A_125 = vector.broadcast %broadcast_in_dim3A_124 : f32 to vector<16xf32>
      %swap3A_126 = arith.index_cast %scan3A_27 : i32 to index
      %swap3A_127 = arith.constant 112 : index
      %swap3A_128 = tpu.vector_load %arg7[%swap3A_126, %swap3A_127] {strides = array<i32>} : memref<16x128xf32, #tpu.memory_space<vmem>>, vector<1x16xf32>,
      %swap3A_129 = vector.shape_cast %swap3A_128 : vector<1x16xf32> to vector<16xf32>
      %swap3A_130 = vector.shape_cast %broadcast_in_dim3A_125 : vector<16xf32> to vector<1x16xf32>
      tpu.vector_store %arg7[%swap3A_126, %swap3A_127], %swap3A_130 {strides = array<i32>} : memref<16x128xf32, #tpu.memory_space<vmem>>, vector<1x16xf32>,
      %broadcast_in_dim3A_131 = arith.constant 1.000000e+00 : f32
      %broadcast_in_dim3A_132 = vector.broadcast %broadcast_in_dim3A_131 : f32 to vector<16xf32>
      %swap3A_133 = arith.index_cast %scan3A_27 : i32 to index
      %swap3A_134 = arith.constant 112 : index
      %swap3A_135 = tpu.vector_load %arg8[%swap3A_133, %swap3A_134] {strides = array<i32>} : memref<16x128xf32, #tpu.memory_space<vmem>>, vector<1x16xf32>,
      %swap3A_136 = vector.shape_cast %swap3A_135 : vector<1x16xf32> to vector<16xf32>
      %swap3A_137 = vector.shape_cast %broadcast_in_dim3A_132 : vector<16xf32> to vector<1x16xf32>
      tpu.vector_store %arg8[%swap3A_133, %swap3A_134], %swap3A_137 {strides = array<i32>} : memref<16x128xf32, #tpu.memory_space<vmem>>, vector<1x16xf32>,
    }
    %scan3A_17 = arith.constant 16 : i32
    %barrier3A = arith.constant 0 : index
    tpu.barrier barrier_id(%barrier3A)
    %scan3A_18 = arith.constant 0 : i32
    %scan3A_19 = arith.constant 0 : i32
    %scan3A_20 = arith.constant 5 : i32
    %scan3A_21 = arith.addi %scan3A_19, %scan3A_20 : i32
    %scan3A_22 = arith.constant 1 : i32
    scf.for %scan3A_27 = %scan3A_19 to %scan3A_21 step %scan3A_22  : i32 {
      "tpu.region"() ({
        %run_scoped3A = tpu.sem_alloc : memref<!tpu.dma_semaphore, #tpu.memory_space<semaphore_mem>>
        %dma_start3A = arith.constant 0 : i32
        %dma_start3A_57 = arith.constant 0 : i32
        %dma_start3A_58 = tpu.memref_slice %arg2[%arg1, %scan3A_27, %dma_start3A, %dma_start3A_57] : memref<16x5x250x16xi32, #tpu.memory_space<hbm>> -> memref<1x1x250x16xi32, #tpu.memory_space<hbm>>
        %dma_start3A_59 = tpu.memref_squeeze %dma_start3A_58 : memref<1x1x250x16xi32, #tpu.memory_space<hbm>> -> memref<250x16xi32, #tpu.memory_space<hbm>>
        %dma_start3A_60 = arith.constant 0 : i32
        %dma_start3A_61 = arith.constant 0 : i32
        %dma_start3A_62 = tpu.memref_slice %arg2[%arg1, %scan3A_27, %dma_start3A_60, %dma_start3A_61] : memref<16x5x250x16xi32, #tpu.memory_space<hbm>> -> memref<1x1x250x16xi32, #tpu.memory_space<hbm>>
        %dma_start3A_63 = tpu.memref_squeeze %dma_start3A_62 : memref<1x1x250x16xi32, #tpu.memory_space<hbm>> -> memref<250x16xi32, #tpu.memory_space<hbm>>
        tpu.enqueue_dma source(%dma_start3A_63 : memref<250x16xi32, #tpu.memory_space<hbm>>) target(%arg5 : memref<250x16xi32, #tpu.memory_space<vmem>>) target_semaphore(%run_scoped3A : memref<!tpu.dma_semaphore, #tpu.memory_space<semaphore_mem>>)
        %dma_wait3A_64 = arith.constant 0 : i32
        %dma_wait3A_65 = arith.constant 0 : i32
        %dma_wait3A_66 = tpu.memref_slice %arg2[%arg1, %scan3A_27, %dma_wait3A_64, %dma_wait3A_65] : memref<16x5x250x16xi32, #tpu.memory_space<hbm>> -> memref<1x1x250x16xi32, #tpu.memory_space<hbm>>
        %dma_wait3A_67 = tpu.memref_squeeze %dma_wait3A_66 : memref<1x1x250x16xi32, #tpu.memory_space<hbm>> -> memref<250x16xi32, #tpu.memory_space<hbm>>
        %dma_wait3A_68 = arith.constant 0 : i32
        %dma_wait3A_69 = arith.constant 0 : i32
        %dma_wait3A_70 = tpu.memref_slice %arg2[%arg1, %scan3A_27, %dma_wait3A_68, %dma_wait3A_69] : memref<16x5x250x16xi32, #tpu.memory_space<hbm>> -> memref<1x1x250x16xi32, #tpu.memory_space<hbm>>
        %dma_wait3A_71 = tpu.memref_squeeze %dma_wait3A_70 : memref<1x1x250x16xi32, #tpu.memory_space<hbm>> -> memref<250x16xi32, #tpu.memory_space<hbm>>
        tpu.wait_dma2 semaphore(%run_scoped3A : memref<!tpu.dma_semaphore, #tpu.memory_space<semaphore_mem>>) src(%dma_wait3A_71 : memref<250x16xi32, #tpu.memory_space<hbm>>) dst(%arg5 : memref<250x16xi32, #tpu.memory_space<vmem>>)
        tpu.yield
      }) : () -> ()
      "tpu.region"() ({
        %run_scoped3A = tpu.sem_alloc : memref<!tpu.dma_semaphore, #tpu.memory_space<semaphore_mem>>
        %dma_start3A = arith.constant 0 : i32
        %dma_start3A_57 = arith.constant 0 : i32
        %dma_start3A_58 = tpu.memref_slice %arg3[%arg1, %scan3A_27, %dma_start3A, %dma_start3A_57] : memref<16x5x250x16xi32, #tpu.memory_space<hbm>> -> memref<1x1x250x16xi32, #tpu.memory_space<hbm>>
        %dma_start3A_59 = tpu.memref_squeeze %dma_start3A_58 : memref<1x1x250x16xi32, #tpu.memory_space<hbm>> -> memref<250x16xi32, #tpu.memory_space<hbm>>
        %dma_start3A_60 = arith.constant 0 : i32
        %dma_start3A_61 = arith.constant 0 : i32
        %dma_start3A_62 = tpu.memref_slice %arg3[%arg1, %scan3A_27, %dma_start3A_60, %dma_start3A_61] : memref<16x5x250x16xi32, #tpu.memory_space<hbm>> -> memref<1x1x250x16xi32, #tpu.memory_space<hbm>>
        %dma_start3A_63 = tpu.memref_squeeze %dma_start3A_62 : memref<1x1x250x16xi32, #tpu.memory_space<hbm>> -> memref<250x16xi32, #tpu.memory_space<hbm>>
        tpu.enqueue_dma source(%dma_start3A_63 : memref<250x16xi32, #tpu.memory_space<hbm>>) target(%arg6 : memref<250x16xi32, #tpu.memory_space<vmem>>) target_semaphore(%run_scoped3A : memref<!tpu.dma_semaphore, #tpu.memory_space<semaphore_mem>>)
        %dma_wait3A_64 = arith.constant 0 : i32
        %dma_wait3A_65 = arith.constant 0 : i32
        %dma_wait3A_66 = tpu.memref_slice %arg3[%arg1, %scan3A_27, %dma_wait3A_64, %dma_wait3A_65] : memref<16x5x250x16xi32, #tpu.memory_space<hbm>> -> memref<1x1x250x16xi32, #tpu.memory_space<hbm>>
        %dma_wait3A_67 = tpu.memref_squeeze %dma_wait3A_66 : memref<1x1x250x16xi32, #tpu.memory_space<hbm>> -> memref<250x16xi32, #tpu.memory_space<hbm>>
        %dma_wait3A_68 = arith.constant 0 : i32
        %dma_wait3A_69 = arith.constant 0 : i32
        %dma_wait3A_70 = tpu.memref_slice %arg3[%arg1, %scan3A_27, %dma_wait3A_68, %dma_wait3A_69] : memref<16x5x250x16xi32, #tpu.memory_space<hbm>> -> memref<1x1x250x16xi32, #tpu.memory_space<hbm>>
        %dma_wait3A_71 = tpu.memref_squeeze %dma_wait3A_70 : memref<1x1x250x16xi32, #tpu.memory_space<hbm>> -> memref<250x16xi32, #tpu.memory_space<hbm>>
        tpu.wait_dma2 semaphore(%run_scoped3A : memref<!tpu.dma_semaphore, #tpu.memory_space<semaphore_mem>>) src(%dma_wait3A_71 : memref<250x16xi32, #tpu.memory_space<hbm>>) dst(%arg6 : memref<250x16xi32, #tpu.memory_space<vmem>>)
        tpu.yield
      }) : () -> ()
      %scan3A_28 = arith.constant 0 : i32
      %scan3A_29 = arith.constant 0 : i32
      %scan3A_30 = arith.constant 250 : i32
      %scan3A_31 = arith.addi %scan3A_29, %scan3A_30 : i32
      %scan3A_32 = arith.constant 1 : i32
      scf.for %scan3A_57 = %scan3A_29 to %scan3A_31 step %scan3A_32  : i32 {
        %get3A = arith.index_cast %scan3A_57 : i32 to index
        %get3A_58 = arith.constant 0 : index
        %get3A_59 = tpu.vector_load %arg5[%get3A, %get3A_58] {strides = array<i32>} : memref<250x16xi32, #tpu.memory_space<vmem>>, vector<1x16xi32>,
        %get3A_60 = vector.shape_cast %get3A_59 : vector<1x16xi32> to vector<16xi32>
        %sub3A = vector.broadcast %mul3A_0 : i32 to vector<16xi32>
        %sub3A_61 = arith.subi %get3A_60, %sub3A : vector<16xi32>
        %ge3A = arith.constant 0 : i32
        %ge3A_62 = vector.broadcast %ge3A : i32 to vector<16xi32>
        %ge3A_63 = arith.cmpi sge, %sub3A_61, %ge3A_62 : vector<16xi32>
        %lt3A = arith.constant 5000 : i32
        %lt3A_64 = vector.broadcast %lt3A : i32 to vector<16xi32>
        %lt3A_65 = arith.cmpi slt, %sub3A_61, %lt3A_64 : vector<16xi32>
        %and3A = arith.andi %ge3A_63, %lt3A_65 : vector<16xi1>
        %jit3A = arith.constant 5000 : i32
        %broadcast_in_dim3A = vector.broadcast %jit3A : i32 to vector<16xi32>
        %select_n3A = arith.select %and3A, %sub3A_61, %broadcast_in_dim3A : vector<16xi1>, vector<16xi32>
        %get3A_66 = arith.index_cast %scan3A_57 : i32 to index
        %get3A_67 = arith.constant 0 : index
        %get3A_68 = tpu.vector_load %arg6[%get3A_66, %get3A_67] {strides = array<i32>} : memref<250x16xi32, #tpu.memory_space<vmem>>, vector<1x16xi32>,
        %get3A_69 = vector.shape_cast %get3A_68 : vector<1x16xi32> to vector<16xi32>
        %sub3A_70 = vector.broadcast %mul3A_0 : i32 to vector<16xi32>
        %sub3A_71 = arith.subi %get3A_69, %sub3A_70 : vector<16xi32>
        %ge3A_72 = arith.constant 0 : i32
        %ge3A_73 = vector.broadcast %ge3A_72 : i32 to vector<16xi32>
        %ge3A_74 = arith.cmpi sge, %sub3A_71, %ge3A_73 : vector<16xi32>
        %lt3A_75 = arith.constant 5000 : i32
        %lt3A_76 = vector.broadcast %lt3A_75 : i32 to vector<16xi32>
        %lt3A_77 = arith.cmpi slt, %sub3A_71, %lt3A_76 : vector<16xi32>
        %and3A_78 = arith.andi %ge3A_74, %lt3A_77 : vector<16xi1>
        %jit3A_79 = arith.constant 5000 : i32
        %broadcast_in_dim3A_80 = vector.broadcast %jit3A_79 : i32 to vector<16xi32>
        %select_n3A_81 = arith.select %and3A_78, %sub3A_71, %broadcast_in_dim3A_80 : vector<16xi1>, vector<16xi32>
        %dma_start3A = arith.constant 0 : i32
        %dma_start3A_82 = arith.constant 0 : i32
        %dma_start3A_83 = tpu.memref_slice %arg10[%dma_start3A, %dma_start3A_82] : memref<5120x128xf32, #tpu.memory_space<vmem_shared>> -> memref<5120x128xf32, #tpu.memory_space<vmem_shared>>
        tpu.enqueue_indirect_dma source(%arg7 : memref<16x128xf32, #tpu.memory_space<vmem>>) target(%dma_start3A_83 : memref<5120x128xf32, #tpu.memory_space<vmem_shared>>) offsets(%select_n3A : vector<16xi32>) semaphore(%arg9 : memref<!tpu.dma_semaphore, #tpu.memory_space<semaphore_mem>>) {add = true}
        %dma_start3A_84 = arith.constant 0 : i32
        %dma_start3A_85 = arith.constant 0 : i32
        %dma_start3A_86 = tpu.memref_slice %arg10[%dma_start3A_84, %dma_start3A_85] : memref<5120x128xf32, #tpu.memory_space<vmem_shared>> -> memref<5120x128xf32, #tpu.memory_space<vmem_shared>>
        tpu.enqueue_indirect_dma source(%arg8 : memref<16x128xf32, #tpu.memory_space<vmem>>) target(%dma_start3A_86 : memref<5120x128xf32, #tpu.memory_space<vmem_shared>>) offsets(%select_n3A_81 : vector<16xi32>) semaphore(%arg9 : memref<!tpu.dma_semaphore, #tpu.memory_space<semaphore_mem>>) {add = true}
        %ge3A_87 = arith.constant 2 : i32
        %ge3A_88 = arith.cmpi sge, %scan3A_57, %ge3A_87 : i32
        %convert_element_type3A = arith.extui %ge3A_88 : i1 to i32
        %cond3A = arith.constant 0 : i32
        %cond3A_89 = arith.cmpi ne, %convert_element_type3A, %cond3A : i32
        scf.if %cond3A_89 {
          %dma_wait3A_90 = arith.constant 0 : i32
          %dma_wait3A_91 = arith.constant 0 : i32
          %dma_wait3A_92 = tpu.memref_slice %arg10[%dma_wait3A_90, %dma_wait3A_91] : memref<5120x128xf32, #tpu.memory_space<vmem_shared>> -> memref<5120x128xf32, #tpu.memory_space<vmem_shared>>
          tpu.wait_indirect_dma semaphore(%arg9 : memref<!tpu.dma_semaphore, #tpu.memory_space<semaphore_mem>>) src(%arg7 : memref<16x128xf32, #tpu.memory_space<vmem>>) dst(%dma_wait3A_92 : memref<5120x128xf32, #tpu.memory_space<vmem_shared>>)
          %dma_wait3A_93 = arith.constant 0 : i32
          %dma_wait3A_94 = arith.constant 0 : i32
          %dma_wait3A_95 = tpu.memref_slice %arg10[%dma_wait3A_93, %dma_wait3A_94] : memref<5120x128xf32, #tpu.memory_space<vmem_shared>> -> memref<5120x128xf32, #tpu.memory_space<vmem_shared>>
          tpu.wait_indirect_dma semaphore(%arg9 : memref<!tpu.dma_semaphore, #tpu.memory_space<semaphore_mem>>) src(%arg8 : memref<16x128xf32, #tpu.memory_space<vmem>>) dst(%dma_wait3A_95 : memref<5120x128xf32, #tpu.memory_space<vmem_shared>>)
        } else {
        }
      }
      %scan3A_33 = arith.constant 250 : i32
      %dma_wait3A = arith.constant 0 : i32
      %dma_wait3A_34 = arith.constant 0 : i32
      %dma_wait3A_35 = tpu.memref_slice %arg10[%dma_wait3A, %dma_wait3A_34] : memref<5120x128xf32, #tpu.memory_space<vmem_shared>> -> memref<16x128xf32, #tpu.memory_space<vmem_shared>>
      %dma_wait3A_36 = arith.constant 0 : i32
      %dma_wait3A_37 = arith.constant 0 : i32
      %dma_wait3A_38 = tpu.memref_slice %arg10[%dma_wait3A_36, %dma_wait3A_37] : memref<5120x128xf32, #tpu.memory_space<vmem_shared>> -> memref<16x128xf32, #tpu.memory_space<vmem_shared>>
      tpu.wait_dma2 semaphore(%arg9 : memref<!tpu.dma_semaphore, #tpu.memory_space<semaphore_mem>>) src(%arg7 : memref<16x128xf32, #tpu.memory_space<vmem>>) dst(%dma_wait3A_38 : memref<16x128xf32, #tpu.memory_space<vmem_shared>>)
      %dma_wait3A_39 = arith.constant 0 : i32
      %dma_wait3A_40 = arith.constant 0 : i32
      %dma_wait3A_41 = tpu.memref_slice %arg10[%dma_wait3A_39, %dma_wait3A_40] : memref<5120x128xf32, #tpu.memory_space<vmem_shared>> -> memref<16x128xf32, #tpu.memory_space<vmem_shared>>
      %dma_wait3A_42 = arith.constant 0 : i32
      %dma_wait3A_43 = arith.constant 0 : i32
      %dma_wait3A_44 = tpu.memref_slice %arg10[%dma_wait3A_42, %dma_wait3A_43] : memref<5120x128xf32, #tpu.memory_space<vmem_shared>> -> memref<16x128xf32, #tpu.memory_space<vmem_shared>>
      tpu.wait_dma2 semaphore(%arg9 : memref<!tpu.dma_semaphore, #tpu.memory_space<semaphore_mem>>) src(%arg8 : memref<16x128xf32, #tpu.memory_space<vmem>>) dst(%dma_wait3A_44 : memref<16x128xf32, #tpu.memory_space<vmem_shared>>)
      %dma_wait3A_45 = arith.constant 0 : i32
      %dma_wait3A_46 = arith.constant 0 : i32
      %dma_wait3A_47 = tpu.memref_slice %arg10[%dma_wait3A_45, %dma_wait3A_46] : memref<5120x128xf32, #tpu.memory_space<vmem_shared>> -> memref<16x128xf32, #tpu.memory_space<vmem_shared>>
      %dma_wait3A_48 = arith.constant 0 : i32
      %dma_wait3A_49 = arith.constant 0 : i32
      %dma_wait3A_50 = tpu.memref_slice %arg10[%dma_wait3A_48, %dma_wait3A_49] : memref<5120x128xf32, #tpu.memory_space<vmem_shared>> -> memref<16x128xf32, #tpu.memory_space<vmem_shared>>
      tpu.wait_dma2 semaphore(%arg9 : memref<!tpu.dma_semaphore, #tpu.memory_space<semaphore_mem>>) src(%arg7 : memref<16x128xf32, #tpu.memory_space<vmem>>) dst(%dma_wait3A_50 : memref<16x128xf32, #tpu.memory_space<vmem_shared>>)
      %dma_wait3A_51 = arith.constant 0 : i32
      %dma_wait3A_52 = arith.constant 0 : i32
      %dma_wait3A_53 = tpu.memref_slice %arg10[%dma_wait3A_51, %dma_wait3A_52] : memref<5120x128xf32, #tpu.memory_space<vmem_shared>> -> memref<16x128xf32, #tpu.memory_space<vmem_shared>>
      %dma_wait3A_54 = arith.constant 0 : i32
      %dma_wait3A_55 = arith.constant 0 : i32
      %dma_wait3A_56 = tpu.memref_slice %arg10[%dma_wait3A_54, %dma_wait3A_55] : memref<5120x128xf32, #tpu.memory_space<vmem_shared>> -> memref<16x128xf32, #tpu.memory_space<vmem_shared>>
      tpu.wait_dma2 semaphore(%arg9 : memref<!tpu.dma_semaphore, #tpu.memory_space<semaphore_mem>>) src(%arg8 : memref<16x128xf32, #tpu.memory_space<vmem>>) dst(%dma_wait3A_56 : memref<16x128xf32, #tpu.memory_space<vmem_shared>>)
    }
    %scan3A_23 = arith.constant 5 : i32
    %barrier3A_24 = arith.constant 0 : index
    tpu.barrier barrier_id(%barrier3A_24)
    %mul3A_25 = arith.constant 320 : i32
    %mul3A_26 = arith.muli %arg1, %mul3A_25 : i32
    "tpu.region"() ({
      %run_scoped3A = tpu.sem_alloc : memref<!tpu.dma_semaphore, #tpu.memory_space<semaphore_mem>>
      %dma_start3A = arith.constant 0 : i32
      %dma_start3A_27 = arith.constant 0 : i32
      %dma_start3A_28 = tpu.memref_slice %arg4[%arg0, %arg1, %dma_start3A, %dma_start3A_27] : memref<2x16x320x128xf32, #tpu.memory_space<hbm>> -> memref<1x1x320x128xf32, #tpu.memory_space<hbm>>
      %dma_start3A_29 = tpu.memref_squeeze %dma_start3A_28 : memref<1x1x320x128xf32, #tpu.memory_space<hbm>> -> memref<320x128xf32, #tpu.memory_space<hbm>>
      %dma_start3A_30 = arith.constant 0 : i32
      %dma_start3A_31 = tpu.memref_slice %arg10[%mul3A_26, %dma_start3A_30] : memref<5120x128xf32, #tpu.memory_space<vmem_shared>> -> memref<320x128xf32, #tpu.memory_space<vmem_shared>>
      tpu.enqueue_dma source(%dma_start3A_31 : memref<320x128xf32, #tpu.memory_space<vmem_shared>>) target(%dma_start3A_29 : memref<320x128xf32, #tpu.memory_space<hbm>>) target_semaphore(%run_scoped3A : memref<!tpu.dma_semaphore, #tpu.memory_space<semaphore_mem>>)
      %dma_wait3A = arith.constant 0 : i32
      %dma_wait3A_32 = arith.constant 0 : i32
      %dma_wait3A_33 = tpu.memref_slice %arg4[%arg0, %arg1, %dma_wait3A, %dma_wait3A_32] : memref<2x16x320x128xf32, #tpu.memory_space<hbm>> -> memref<1x1x320x128xf32, #tpu.memory_space<hbm>>
      %dma_wait3A_34 = tpu.memref_squeeze %dma_wait3A_33 : memref<1x1x320x128xf32, #tpu.memory_space<hbm>> -> memref<320x128xf32, #tpu.memory_space<hbm>>
      %dma_wait3A_35 = arith.constant 0 : i32
      %dma_wait3A_36 = tpu.memref_slice %arg10[%mul3A_26, %dma_wait3A_35] : memref<5120x128xf32, #tpu.memory_space<vmem_shared>> -> memref<320x128xf32, #tpu.memory_space<vmem_shared>>
      tpu.wait_dma2 semaphore(%run_scoped3A : memref<!tpu.dma_semaphore, #tpu.memory_space<semaphore_mem>>) src(%dma_wait3A_36 : memref<320x128xf32, #tpu.memory_space<vmem_shared>>) dst(%dma_wait3A_34 : memref<320x128xf32, #tpu.memory_space<hbm>>)
      tpu.yield
    }) : () -> ()
    return
  }
}

#map = affine_map<(d0, d1) -> (0, 0, 0, 0)>
#map1 = affine_map<(d0, d1) -> (0, 0)>
module attributes {stable_mosaic.version = 14 : i64} {
  func.func @_sc_segsum_body(%arg0: i32, %arg1: i32, %arg2: memref<16x5x250x16xi32, #tpu.memory_space<hbm>>, %arg3: memref<16x5x250x16xi32, #tpu.memory_space<hbm>>, %arg4: memref<10000x128xf32, #tpu.memory_space<hbm>>, %arg5: memref<2x16x320x128xf32, #tpu.memory_space<hbm>>, %arg6: memref<250x16xi32, #tpu.memory_space<vmem>>, %arg7: memref<250x16xi32, #tpu.memory_space<vmem>>, %arg8: memref<16x128xf32, #tpu.memory_space<vmem>>, %arg9: memref<16x128xf32, #tpu.memory_space<vmem>>, %arg10: memref<!tpu.dma_semaphore, #tpu.memory_space<semaphore_mem>>, %arg11: memref<!tpu.dma_semaphore, #tpu.memory_space<semaphore_mem>>, %arg12: memref<!tpu.dma_semaphore, #tpu.memory_space<semaphore_mem>>, %arg13: memref<5120x128xf32, #tpu.memory_space<vmem_shared>>) attributes {dimension_semantics = [#tpu.dimension_semantics<core_parallel>, #tpu.dimension_semantics<subcore_parallel>], iteration_bounds = array<i64: 2, 16>, scalar_prefetch = 0 : i64, scratch_operands = 8 : i64, tpu.core_type = #tpu.core_type<sc_vector_subcore>, window_params = [{transform_indices = #map}, {transform_indices = #map}, {transform_indices = #map1}, {transform_indices = #map}]} {
    %mul3A = arith.constant 5000 : i32
    %mul3A_0 = arith.muli %arg0, %mul3A : i32
    %scan3A = arith.constant 0 : i32
    %scan3A_1 = arith.constant 0 : i32
    %scan3A_2 = arith.constant 16 : i32
    %scan3A_3 = arith.addi %scan3A_1, %scan3A_2 : i32
    %scan3A_4 = arith.constant 1 : i32
    scf.for %scan3A_21 = %scan3A_1 to %scan3A_3 step %scan3A_4  : i32 {
      %broadcast_in_dim3A = arith.constant 0.000000e+00 : f32
      %broadcast_in_dim3A_22 = vector.broadcast %broadcast_in_dim3A : f32 to vector<16xf32>
      %swap3A = arith.index_cast %scan3A_21 : i32 to index
      %swap3A_23 = arith.constant 0 : index
      %swap3A_24 = tpu.vector_load %arg8[%swap3A, %swap3A_23] {strides = array<i32>} : memref<16x128xf32, #tpu.memory_space<vmem>>, vector<1x16xf32>,
      %swap3A_25 = vector.shape_cast %swap3A_24 : vector<1x16xf32> to vector<16xf32>
      %swap3A_26 = vector.shape_cast %broadcast_in_dim3A_22 : vector<16xf32> to vector<1x16xf32>
      tpu.vector_store %arg8[%swap3A, %swap3A_23], %swap3A_26 {strides = array<i32>} : memref<16x128xf32, #tpu.memory_space<vmem>>, vector<1x16xf32>,
      %broadcast_in_dim3A_27 = arith.constant 0.000000e+00 : f32
      %broadcast_in_dim3A_28 = vector.broadcast %broadcast_in_dim3A_27 : f32 to vector<16xf32>
      %swap3A_29 = arith.index_cast %scan3A_21 : i32 to index
      %swap3A_30 = arith.constant 16 : index
      %swap3A_31 = tpu.vector_load %arg8[%swap3A_29, %swap3A_30] {strides = array<i32>} : memref<16x128xf32, #tpu.memory_space<vmem>>, vector<1x16xf32>,
      %swap3A_32 = vector.shape_cast %swap3A_31 : vector<1x16xf32> to vector<16xf32>
      %swap3A_33 = vector.shape_cast %broadcast_in_dim3A_28 : vector<16xf32> to vector<1x16xf32>
      tpu.vector_store %arg8[%swap3A_29, %swap3A_30], %swap3A_33 {strides = array<i32>} : memref<16x128xf32, #tpu.memory_space<vmem>>, vector<1x16xf32>,
      %broadcast_in_dim3A_34 = arith.constant 0.000000e+00 : f32
      %broadcast_in_dim3A_35 = vector.broadcast %broadcast_in_dim3A_34 : f32 to vector<16xf32>
      %swap3A_36 = arith.index_cast %scan3A_21 : i32 to index
      %swap3A_37 = arith.constant 32 : index
      %swap3A_38 = tpu.vector_load %arg8[%swap3A_36, %swap3A_37] {strides = array<i32>} : memref<16x128xf32, #tpu.memory_space<vmem>>, vector<1x16xf32>,
      %swap3A_39 = vector.shape_cast %swap3A_38 : vector<1x16xf32> to vector<16xf32>
      %swap3A_40 = vector.shape_cast %broadcast_in_dim3A_35 : vector<16xf32> to vector<1x16xf32>
      tpu.vector_store %arg8[%swap3A_36, %swap3A_37], %swap3A_40 {strides = array<i32>} : memref<16x128xf32, #tpu.memory_space<vmem>>, vector<1x16xf32>,
      %broadcast_in_dim3A_41 = arith.constant 0.000000e+00 : f32
      %broadcast_in_dim3A_42 = vector.broadcast %broadcast_in_dim3A_41 : f32 to vector<16xf32>
      %swap3A_43 = arith.index_cast %scan3A_21 : i32 to index
      %swap3A_44 = arith.constant 48 : index
      %swap3A_45 = tpu.vector_load %arg8[%swap3A_43, %swap3A_44] {strides = array<i32>} : memref<16x128xf32, #tpu.memory_space<vmem>>, vector<1x16xf32>,
      %swap3A_46 = vector.shape_cast %swap3A_45 : vector<1x16xf32> to vector<16xf32>
      %swap3A_47 = vector.shape_cast %broadcast_in_dim3A_42 : vector<16xf32> to vector<1x16xf32>
      tpu.vector_store %arg8[%swap3A_43, %swap3A_44], %swap3A_47 {strides = array<i32>} : memref<16x128xf32, #tpu.memory_space<vmem>>, vector<1x16xf32>,
      %broadcast_in_dim3A_48 = arith.constant 0.000000e+00 : f32
      %broadcast_in_dim3A_49 = vector.broadcast %broadcast_in_dim3A_48 : f32 to vector<16xf32>
      %swap3A_50 = arith.index_cast %scan3A_21 : i32 to index
      %swap3A_51 = arith.constant 64 : index
      %swap3A_52 = tpu.vector_load %arg8[%swap3A_50, %swap3A_51] {strides = array<i32>} : memref<16x128xf32, #tpu.memory_space<vmem>>, vector<1x16xf32>,
      %swap3A_53 = vector.shape_cast %swap3A_52 : vector<1x16xf32> to vector<16xf32>
      %swap3A_54 = vector.shape_cast %broadcast_in_dim3A_49 : vector<16xf32> to vector<1x16xf32>
      tpu.vector_store %arg8[%swap3A_50, %swap3A_51], %swap3A_54 {strides = array<i32>} : memref<16x128xf32, #tpu.memory_space<vmem>>, vector<1x16xf32>,
      %broadcast_in_dim3A_55 = arith.constant 0.000000e+00 : f32
      %broadcast_in_dim3A_56 = vector.broadcast %broadcast_in_dim3A_55 : f32 to vector<16xf32>
      %swap3A_57 = arith.index_cast %scan3A_21 : i32 to index
      %swap3A_58 = arith.constant 80 : index
      %swap3A_59 = tpu.vector_load %arg8[%swap3A_57, %swap3A_58] {strides = array<i32>} : memref<16x128xf32, #tpu.memory_space<vmem>>, vector<1x16xf32>,
      %swap3A_60 = vector.shape_cast %swap3A_59 : vector<1x16xf32> to vector<16xf32>
      %swap3A_61 = vector.shape_cast %broadcast_in_dim3A_56 : vector<16xf32> to vector<1x16xf32>
      tpu.vector_store %arg8[%swap3A_57, %swap3A_58], %swap3A_61 {strides = array<i32>} : memref<16x128xf32, #tpu.memory_space<vmem>>, vector<1x16xf32>,
      %broadcast_in_dim3A_62 = arith.constant 0.000000e+00 : f32
      %broadcast_in_dim3A_63 = vector.broadcast %broadcast_in_dim3A_62 : f32 to vector<16xf32>
      %swap3A_64 = arith.index_cast %scan3A_21 : i32 to index
      %swap3A_65 = arith.constant 96 : index
      %swap3A_66 = tpu.vector_load %arg8[%swap3A_64, %swap3A_65] {strides = array<i32>} : memref<16x128xf32, #tpu.memory_space<vmem>>, vector<1x16xf32>,
      %swap3A_67 = vector.shape_cast %swap3A_66 : vector<1x16xf32> to vector<16xf32>
      %swap3A_68 = vector.shape_cast %broadcast_in_dim3A_63 : vector<16xf32> to vector<1x16xf32>
      tpu.vector_store %arg8[%swap3A_64, %swap3A_65], %swap3A_68 {strides = array<i32>} : memref<16x128xf32, #tpu.memory_space<vmem>>, vector<1x16xf32>,
      %broadcast_in_dim3A_69 = arith.constant 0.000000e+00 : f32
      %broadcast_in_dim3A_70 = vector.broadcast %broadcast_in_dim3A_69 : f32 to vector<16xf32>
      %swap3A_71 = arith.index_cast %scan3A_21 : i32 to index
      %swap3A_72 = arith.constant 112 : index
      %swap3A_73 = tpu.vector_load %arg8[%swap3A_71, %swap3A_72] {strides = array<i32>} : memref<16x128xf32, #tpu.memory_space<vmem>>, vector<1x16xf32>,
      %swap3A_74 = vector.shape_cast %swap3A_73 : vector<1x16xf32> to vector<16xf32>
      %swap3A_75 = vector.shape_cast %broadcast_in_dim3A_70 : vector<16xf32> to vector<1x16xf32>
      tpu.vector_store %arg8[%swap3A_71, %swap3A_72], %swap3A_75 {strides = array<i32>} : memref<16x128xf32, #tpu.memory_space<vmem>>, vector<1x16xf32>,
    }
    %scan3A_5 = arith.constant 16 : i32
    %scan3A_6 = arith.constant 0 : i32
    %scan3A_7 = arith.constant 0 : i32
    %scan3A_8 = arith.constant 20 : i32
    %scan3A_9 = arith.addi %scan3A_7, %scan3A_8 : i32
    %scan3A_10 = arith.constant 1 : i32
    scf.for %scan3A_21 = %scan3A_7 to %scan3A_9 step %scan3A_10  : i32 {
      %mul3A_22 = arith.constant 16 : i32
      %mul3A_23 = arith.muli %scan3A_21, %mul3A_22 : i32
      %add3A = arith.addi %arg1, %mul3A_23 : i32
      %mul3A_24 = arith.constant 16 : i32
      %mul3A_25 = arith.muli %add3A, %mul3A_24 : i32
      "tpu.region"() ({
        %run_scoped3A = tpu.sem_alloc : memref<!tpu.dma_semaphore, #tpu.memory_space<semaphore_mem>>
        %dma_start3A = arith.constant 0 : i32
        %dma_start3A_26 = tpu.memref_slice %arg13[%mul3A_25, %dma_start3A] : memref<5120x128xf32, #tpu.memory_space<vmem_shared>> -> memref<16x128xf32, #tpu.memory_space<vmem_shared>>
        %dma_start3A_27 = arith.constant 0 : i32
        %dma_start3A_28 = tpu.memref_slice %arg13[%mul3A_25, %dma_start3A_27] : memref<5120x128xf32, #tpu.memory_space<vmem_shared>> -> memref<16x128xf32, #tpu.memory_space<vmem_shared>>
        tpu.enqueue_dma source(%arg8 : memref<16x128xf32, #tpu.memory_space<vmem>>) target(%dma_start3A_28 : memref<16x128xf32, #tpu.memory_space<vmem_shared>>) target_semaphore(%run_scoped3A : memref<!tpu.dma_semaphore, #tpu.memory_space<semaphore_mem>>)
        %dma_wait3A = arith.constant 0 : i32
        %dma_wait3A_29 = tpu.memref_slice %arg13[%mul3A_25, %dma_wait3A] : memref<5120x128xf32, #tpu.memory_space<vmem_shared>> -> memref<16x128xf32, #tpu.memory_space<vmem_shared>>
        %dma_wait3A_30 = arith.constant 0 : i32
        %dma_wait3A_31 = tpu.memref_slice %arg13[%mul3A_25, %dma_wait3A_30] : memref<5120x128xf32, #tpu.memory_space<vmem_shared>> -> memref<16x128xf32, #tpu.memory_space<vmem_shared>>
        tpu.wait_dma2 semaphore(%run_scoped3A : memref<!tpu.dma_semaphore, #tpu.memory_space<semaphore_mem>>) src(%arg8 : memref<16x128xf32, #tpu.memory_space<vmem>>) dst(%dma_wait3A_31 : memref<16x128xf32, #tpu.memory_space<vmem_shared>>)
        tpu.yield
      }) : () -> ()
    }
    %scan3A_11 = arith.constant 20 : i32
    %barrier3A = arith.constant 0 : index
    tpu.barrier barrier_id(%barrier3A)
    %scan3A_12 = arith.constant 0 : i32
    %scan3A_13 = arith.constant 0 : i32
    %scan3A_14 = arith.constant 5 : i32
    %scan3A_15 = arith.addi %scan3A_13, %scan3A_14 : i32
    %scan3A_16 = arith.constant 1 : i32
    scf.for %scan3A_21 = %scan3A_13 to %scan3A_15 step %scan3A_16  : i32 {
      "tpu.region"() ({
        %run_scoped3A = tpu.sem_alloc : memref<!tpu.dma_semaphore, #tpu.memory_space<semaphore_mem>>
        %dma_start3A_42 = arith.constant 0 : i32
        %dma_start3A_43 = arith.constant 0 : i32
        %dma_start3A_44 = tpu.memref_slice %arg2[%arg1, %scan3A_21, %dma_start3A_42, %dma_start3A_43] : memref<16x5x250x16xi32, #tpu.memory_space<hbm>> -> memref<1x1x250x16xi32, #tpu.memory_space<hbm>>
        %dma_start3A_45 = tpu.memref_squeeze %dma_start3A_44 : memref<1x1x250x16xi32, #tpu.memory_space<hbm>> -> memref<250x16xi32, #tpu.memory_space<hbm>>
        %dma_start3A_46 = arith.constant 0 : i32
        %dma_start3A_47 = arith.constant 0 : i32
        %dma_start3A_48 = tpu.memref_slice %arg2[%arg1, %scan3A_21, %dma_start3A_46, %dma_start3A_47] : memref<16x5x250x16xi32, #tpu.memory_space<hbm>> -> memref<1x1x250x16xi32, #tpu.memory_space<hbm>>
        %dma_start3A_49 = tpu.memref_squeeze %dma_start3A_48 : memref<1x1x250x16xi32, #tpu.memory_space<hbm>> -> memref<250x16xi32, #tpu.memory_space<hbm>>
        tpu.enqueue_dma source(%dma_start3A_49 : memref<250x16xi32, #tpu.memory_space<hbm>>) target(%arg6 : memref<250x16xi32, #tpu.memory_space<vmem>>) target_semaphore(%run_scoped3A : memref<!tpu.dma_semaphore, #tpu.memory_space<semaphore_mem>>)
        %dma_wait3A = arith.constant 0 : i32
        %dma_wait3A_50 = arith.constant 0 : i32
        %dma_wait3A_51 = tpu.memref_slice %arg2[%arg1, %scan3A_21, %dma_wait3A, %dma_wait3A_50] : memref<16x5x250x16xi32, #tpu.memory_space<hbm>> -> memref<1x1x250x16xi32, #tpu.memory_space<hbm>>
        %dma_wait3A_52 = tpu.memref_squeeze %dma_wait3A_51 : memref<1x1x250x16xi32, #tpu.memory_space<hbm>> -> memref<250x16xi32, #tpu.memory_space<hbm>>
        %dma_wait3A_53 = arith.constant 0 : i32
        %dma_wait3A_54 = arith.constant 0 : i32
        %dma_wait3A_55 = tpu.memref_slice %arg2[%arg1, %scan3A_21, %dma_wait3A_53, %dma_wait3A_54] : memref<16x5x250x16xi32, #tpu.memory_space<hbm>> -> memref<1x1x250x16xi32, #tpu.memory_space<hbm>>
        %dma_wait3A_56 = tpu.memref_squeeze %dma_wait3A_55 : memref<1x1x250x16xi32, #tpu.memory_space<hbm>> -> memref<250x16xi32, #tpu.memory_space<hbm>>
        tpu.wait_dma2 semaphore(%run_scoped3A : memref<!tpu.dma_semaphore, #tpu.memory_space<semaphore_mem>>) src(%dma_wait3A_56 : memref<250x16xi32, #tpu.memory_space<hbm>>) dst(%arg6 : memref<250x16xi32, #tpu.memory_space<vmem>>)
        tpu.yield
      }) : () -> ()
      "tpu.region"() ({
        %run_scoped3A = tpu.sem_alloc : memref<!tpu.dma_semaphore, #tpu.memory_space<semaphore_mem>>
        %dma_start3A_42 = arith.constant 0 : i32
        %dma_start3A_43 = arith.constant 0 : i32
        %dma_start3A_44 = tpu.memref_slice %arg3[%arg1, %scan3A_21, %dma_start3A_42, %dma_start3A_43] : memref<16x5x250x16xi32, #tpu.memory_space<hbm>> -> memref<1x1x250x16xi32, #tpu.memory_space<hbm>>
        %dma_start3A_45 = tpu.memref_squeeze %dma_start3A_44 : memref<1x1x250x16xi32, #tpu.memory_space<hbm>> -> memref<250x16xi32, #tpu.memory_space<hbm>>
        %dma_start3A_46 = arith.constant 0 : i32
        %dma_start3A_47 = arith.constant 0 : i32
        %dma_start3A_48 = tpu.memref_slice %arg3[%arg1, %scan3A_21, %dma_start3A_46, %dma_start3A_47] : memref<16x5x250x16xi32, #tpu.memory_space<hbm>> -> memref<1x1x250x16xi32, #tpu.memory_space<hbm>>
        %dma_start3A_49 = tpu.memref_squeeze %dma_start3A_48 : memref<1x1x250x16xi32, #tpu.memory_space<hbm>> -> memref<250x16xi32, #tpu.memory_space<hbm>>
        tpu.enqueue_dma source(%dma_start3A_49 : memref<250x16xi32, #tpu.memory_space<hbm>>) target(%arg7 : memref<250x16xi32, #tpu.memory_space<vmem>>) target_semaphore(%run_scoped3A : memref<!tpu.dma_semaphore, #tpu.memory_space<semaphore_mem>>)
        %dma_wait3A = arith.constant 0 : i32
        %dma_wait3A_50 = arith.constant 0 : i32
        %dma_wait3A_51 = tpu.memref_slice %arg3[%arg1, %scan3A_21, %dma_wait3A, %dma_wait3A_50] : memref<16x5x250x16xi32, #tpu.memory_space<hbm>> -> memref<1x1x250x16xi32, #tpu.memory_space<hbm>>
        %dma_wait3A_52 = tpu.memref_squeeze %dma_wait3A_51 : memref<1x1x250x16xi32, #tpu.memory_space<hbm>> -> memref<250x16xi32, #tpu.memory_space<hbm>>
        %dma_wait3A_53 = arith.constant 0 : i32
        %dma_wait3A_54 = arith.constant 0 : i32
        %dma_wait3A_55 = tpu.memref_slice %arg3[%arg1, %scan3A_21, %dma_wait3A_53, %dma_wait3A_54] : memref<16x5x250x16xi32, #tpu.memory_space<hbm>> -> memref<1x1x250x16xi32, #tpu.memory_space<hbm>>
        %dma_wait3A_56 = tpu.memref_squeeze %dma_wait3A_55 : memref<1x1x250x16xi32, #tpu.memory_space<hbm>> -> memref<250x16xi32, #tpu.memory_space<hbm>>
        tpu.wait_dma2 semaphore(%run_scoped3A : memref<!tpu.dma_semaphore, #tpu.memory_space<semaphore_mem>>) src(%dma_wait3A_56 : memref<250x16xi32, #tpu.memory_space<hbm>>) dst(%arg7 : memref<250x16xi32, #tpu.memory_space<vmem>>)
        tpu.yield
      }) : () -> ()
      %get3A = arith.constant 0 : i32
      %get3A_22 = arith.index_cast %get3A : i32 to index
      %get3A_23 = arith.constant 0 : index
      %get3A_24 = tpu.vector_load %arg6[%get3A_22, %get3A_23] {strides = array<i32>} : memref<250x16xi32, #tpu.memory_space<vmem>>, vector<1x16xi32>,
      %get3A_25 = vector.shape_cast %get3A_24 : vector<1x16xi32> to vector<16xi32>
      %dma_start3A = arith.constant 0 : i32
      %dma_start3A_26 = arith.constant 0 : i32
      %dma_start3A_27 = tpu.memref_slice %arg4[%dma_start3A, %dma_start3A_26] : memref<10000x128xf32, #tpu.memory_space<hbm>> -> memref<10000x128xf32, #tpu.memory_space<hbm>>
      tpu.enqueue_indirect_dma source(%dma_start3A_27 : memref<10000x128xf32, #tpu.memory_space<hbm>>) target(%arg8 : memref<16x128xf32, #tpu.memory_space<vmem>>) offsets(%get3A_25 : vector<16xi32>) semaphore(%arg10 : memref<!tpu.dma_semaphore, #tpu.memory_space<semaphore_mem>>)
      %get3A_28 = arith.constant 1 : i32
      %get3A_29 = arith.index_cast %get3A_28 : i32 to index
      %get3A_30 = arith.constant 0 : index
      %get3A_31 = tpu.vector_load %arg6[%get3A_29, %get3A_30] {strides = array<i32>} : memref<250x16xi32, #tpu.memory_space<vmem>>, vector<1x16xi32>,
      %get3A_32 = vector.shape_cast %get3A_31 : vector<1x16xi32> to vector<16xi32>
      %dma_start3A_33 = arith.constant 0 : i32
      %dma_start3A_34 = arith.constant 0 : i32
      %dma_start3A_35 = tpu.memref_slice %arg4[%dma_start3A_33, %dma_start3A_34] : memref<10000x128xf32, #tpu.memory_space<hbm>> -> memref<10000x128xf32, #tpu.memory_space<hbm>>
      tpu.enqueue_indirect_dma source(%dma_start3A_35 : memref<10000x128xf32, #tpu.memory_space<hbm>>) target(%arg9 : memref<16x128xf32, #tpu.memory_space<vmem>>) offsets(%get3A_32 : vector<16xi32>) semaphore(%arg11 : memref<!tpu.dma_semaphore, #tpu.memory_space<semaphore_mem>>)
      %scan3A_36 = arith.constant 0 : i32
      %scan3A_37 = arith.constant 0 : i32
      %scan3A_38 = arith.constant 125 : i32
      %scan3A_39 = arith.addi %scan3A_37, %scan3A_38 : i32
      %scan3A_40 = arith.constant 1 : i32
      scf.for %scan3A_42 = %scan3A_37 to %scan3A_39 step %scan3A_40  : i32 {
        %mul3A_43 = arith.constant 2 : i32
        %mul3A_44 = arith.muli %mul3A_43, %scan3A_42 : i32
        %add3A = arith.constant 0 : i32
        %add3A_45 = arith.addi %mul3A_44, %add3A : i32
        %get3A_46 = arith.index_cast %add3A_45 : i32 to index
        %get3A_47 = arith.constant 0 : index
        %get3A_48 = tpu.vector_load %arg6[%get3A_46, %get3A_47] {strides = array<i32>} : memref<250x16xi32, #tpu.memory_space<vmem>>, vector<1x16xi32>,
        %get3A_49 = vector.shape_cast %get3A_48 : vector<1x16xi32> to vector<16xi32>
        %dma_wait3A = arith.constant 0 : i32
        %dma_wait3A_50 = arith.constant 0 : i32
        %dma_wait3A_51 = tpu.memref_slice %arg4[%dma_wait3A, %dma_wait3A_50] : memref<10000x128xf32, #tpu.memory_space<hbm>> -> memref<10000x128xf32, #tpu.memory_space<hbm>>
        tpu.wait_indirect_dma semaphore(%arg10 : memref<!tpu.dma_semaphore, #tpu.memory_space<semaphore_mem>>) src(%dma_wait3A_51 : memref<10000x128xf32, #tpu.memory_space<hbm>>) dst(%arg8 : memref<16x128xf32, #tpu.memory_space<vmem>>)
        %get3A_52 = arith.index_cast %add3A_45 : i32 to index
        %get3A_53 = arith.constant 0 : index
        %get3A_54 = tpu.vector_load %arg7[%get3A_52, %get3A_53] {strides = array<i32>} : memref<250x16xi32, #tpu.memory_space<vmem>>, vector<1x16xi32>,
        %get3A_55 = vector.shape_cast %get3A_54 : vector<1x16xi32> to vector<16xi32>
        %sub3A = vector.broadcast %mul3A_0 : i32 to vector<16xi32>
        %sub3A_56 = arith.subi %get3A_55, %sub3A : vector<16xi32>
        %ge3A = arith.constant 0 : i32
        %ge3A_57 = vector.broadcast %ge3A : i32 to vector<16xi32>
        %ge3A_58 = arith.cmpi sge, %sub3A_56, %ge3A_57 : vector<16xi32>
        %lt3A = arith.constant 5000 : i32
        %lt3A_59 = vector.broadcast %lt3A : i32 to vector<16xi32>
        %lt3A_60 = arith.cmpi slt, %sub3A_56, %lt3A_59 : vector<16xi32>
        %and3A = arith.andi %ge3A_58, %lt3A_60 : vector<16xi1>
        %jit3A = arith.constant 5000 : i32
        %broadcast_in_dim3A = vector.broadcast %jit3A : i32 to vector<16xi32>
        %select_n3A = arith.select %and3A, %sub3A_56, %broadcast_in_dim3A : vector<16xi1>, vector<16xi32>
        %dma_start3A_61 = arith.constant 0 : i32
        %dma_start3A_62 = arith.constant 0 : i32
        %dma_start3A_63 = tpu.memref_slice %arg13[%dma_start3A_61, %dma_start3A_62] : memref<5120x128xf32, #tpu.memory_space<vmem_shared>> -> memref<5120x128xf32, #tpu.memory_space<vmem_shared>>
        tpu.enqueue_indirect_dma source(%arg8 : memref<16x128xf32, #tpu.memory_space<vmem>>) target(%dma_start3A_63 : memref<5120x128xf32, #tpu.memory_space<vmem_shared>>) offsets(%select_n3A : vector<16xi32>) semaphore(%arg12 : memref<!tpu.dma_semaphore, #tpu.memory_space<semaphore_mem>>) {add = true}
        %add3A_64 = arith.constant 2 : i32
        %add3A_65 = arith.addi %add3A_45, %add3A_64 : i32
        %lt3A_66 = arith.constant 250 : i32
        %lt3A_67 = arith.cmpi slt, %add3A_65, %lt3A_66 : i32
        %convert_element_type3A = arith.extui %lt3A_67 : i1 to i32
        %cond3A = arith.constant 0 : i32
        %cond3A_68 = arith.cmpi ne, %convert_element_type3A, %cond3A : i32
        scf.if %cond3A_68 {
          %dma_wait3A_118 = arith.constant 0 : i32
          %dma_wait3A_119 = arith.constant 0 : i32
          %dma_wait3A_120 = tpu.memref_slice %arg13[%dma_wait3A_118, %dma_wait3A_119] : memref<5120x128xf32, #tpu.memory_space<vmem_shared>> -> memref<5120x128xf32, #tpu.memory_space<vmem_shared>>
          tpu.wait_indirect_dma semaphore(%arg12 : memref<!tpu.dma_semaphore, #tpu.memory_space<semaphore_mem>>) src(%arg8 : memref<16x128xf32, #tpu.memory_space<vmem>>) dst(%dma_wait3A_120 : memref<5120x128xf32, #tpu.memory_space<vmem_shared>>)
          %add3A_121 = arith.constant 2 : i32
          %add3A_122 = arith.addi %add3A_45, %add3A_121 : i32
          %get3A_123 = arith.index_cast %add3A_122 : i32 to index
          %get3A_124 = arith.constant 0 : index
          %get3A_125 = tpu.vector_load %arg6[%get3A_123, %get3A_124] {strides = array<i32>} : memref<250x16xi32, #tpu.memory_space<vmem>>, vector<1x16xi32>,
          %get3A_126 = vector.shape_cast %get3A_125 : vector<1x16xi32> to vector<16xi32>
          %dma_start3A_127 = arith.constant 0 : i32
          %dma_start3A_128 = arith.constant 0 : i32
          %dma_start3A_129 = tpu.memref_slice %arg4[%dma_start3A_127, %dma_start3A_128] : memref<10000x128xf32, #tpu.memory_space<hbm>> -> memref<10000x128xf32, #tpu.memory_space<hbm>>
          tpu.enqueue_indirect_dma source(%dma_start3A_129 : memref<10000x128xf32, #tpu.memory_space<hbm>>) target(%arg8 : memref<16x128xf32, #tpu.memory_space<vmem>>) offsets(%get3A_126 : vector<16xi32>) semaphore(%arg10 : memref<!tpu.dma_semaphore, #tpu.memory_space<semaphore_mem>>)
        } else {
        }
        %add3A_69 = arith.constant 2 : i32
        %add3A_70 = arith.addi %add3A_45, %add3A_69 : i32
        %ge3A_71 = arith.constant 250 : i32
        %ge3A_72 = arith.cmpi sge, %add3A_70, %ge3A_71 : i32
        %convert_element_type3A_73 = arith.extui %ge3A_72 : i1 to i32
        %cond3A_74 = arith.constant 0 : i32
        %cond3A_75 = arith.cmpi ne, %convert_element_type3A_73, %cond3A_74 : i32
        scf.if %cond3A_75 {
          %dma_wait3A_118 = arith.constant 0 : i32
          %dma_wait3A_119 = arith.constant 0 : i32
          %dma_wait3A_120 = tpu.memref_slice %arg13[%dma_wait3A_118, %dma_wait3A_119] : memref<5120x128xf32, #tpu.memory_space<vmem_shared>> -> memref<5120x128xf32, #tpu.memory_space<vmem_shared>>
          tpu.wait_indirect_dma semaphore(%arg12 : memref<!tpu.dma_semaphore, #tpu.memory_space<semaphore_mem>>) src(%arg8 : memref<16x128xf32, #tpu.memory_space<vmem>>) dst(%dma_wait3A_120 : memref<5120x128xf32, #tpu.memory_space<vmem_shared>>)
        } else {
        }
        %add3A_76 = arith.constant 1 : i32
        %add3A_77 = arith.addi %mul3A_44, %add3A_76 : i32
        %get3A_78 = arith.index_cast %add3A_77 : i32 to index
        %get3A_79 = arith.constant 0 : index
        %get3A_80 = tpu.vector_load %arg6[%get3A_78, %get3A_79] {strides = array<i32>} : memref<250x16xi32, #tpu.memory_space<vmem>>, vector<1x16xi32>,
        %get3A_81 = vector.shape_cast %get3A_80 : vector<1x16xi32> to vector<16xi32>
        %dma_wait3A_82 = arith.constant 0 : i32
        %dma_wait3A_83 = arith.constant 0 : i32
        %dma_wait3A_84 = tpu.memref_slice %arg4[%dma_wait3A_82, %dma_wait3A_83] : memref<10000x128xf32, #tpu.memory_space<hbm>> -> memref<10000x128xf32, #tpu.memory_space<hbm>>
        tpu.wait_indirect_dma semaphore(%arg11 : memref<!tpu.dma_semaphore, #tpu.memory_space<semaphore_mem>>) src(%dma_wait3A_84 : memref<10000x128xf32, #tpu.memory_space<hbm>>) dst(%arg9 : memref<16x128xf32, #tpu.memory_space<vmem>>)
        %get3A_85 = arith.index_cast %add3A_77 : i32 to index
        %get3A_86 = arith.constant 0 : index
        %get3A_87 = tpu.vector_load %arg7[%get3A_85, %get3A_86] {strides = array<i32>} : memref<250x16xi32, #tpu.memory_space<vmem>>, vector<1x16xi32>,
        %get3A_88 = vector.shape_cast %get3A_87 : vector<1x16xi32> to vector<16xi32>
        %sub3A_89 = vector.broadcast %mul3A_0 : i32 to vector<16xi32>
        %sub3A_90 = arith.subi %get3A_88, %sub3A_89 : vector<16xi32>
        %ge3A_91 = arith.constant 0 : i32
        %ge3A_92 = vector.broadcast %ge3A_91 : i32 to vector<16xi32>
        %ge3A_93 = arith.cmpi sge, %sub3A_90, %ge3A_92 : vector<16xi32>
        %lt3A_94 = arith.constant 5000 : i32
        %lt3A_95 = vector.broadcast %lt3A_94 : i32 to vector<16xi32>
        %lt3A_96 = arith.cmpi slt, %sub3A_90, %lt3A_95 : vector<16xi32>
        %and3A_97 = arith.andi %ge3A_93, %lt3A_96 : vector<16xi1>
        %jit3A_98 = arith.constant 5000 : i32
        %broadcast_in_dim3A_99 = vector.broadcast %jit3A_98 : i32 to vector<16xi32>
        %select_n3A_100 = arith.select %and3A_97, %sub3A_90, %broadcast_in_dim3A_99 : vector<16xi1>, vector<16xi32>
        %dma_start3A_101 = arith.constant 0 : i32
        %dma_start3A_102 = arith.constant 0 : i32
        %dma_start3A_103 = tpu.memref_slice %arg13[%dma_start3A_101, %dma_start3A_102] : memref<5120x128xf32, #tpu.memory_space<vmem_shared>> -> memref<5120x128xf32, #tpu.memory_space<vmem_shared>>
        tpu.enqueue_indirect_dma source(%arg9 : memref<16x128xf32, #tpu.memory_space<vmem>>) target(%dma_start3A_103 : memref<5120x128xf32, #tpu.memory_space<vmem_shared>>) offsets(%select_n3A_100 : vector<16xi32>) semaphore(%arg12 : memref<!tpu.dma_semaphore, #tpu.memory_space<semaphore_mem>>) {add = true}
        %add3A_104 = arith.constant 2 : i32
        %add3A_105 = arith.addi %add3A_77, %add3A_104 : i32
        %lt3A_106 = arith.constant 250 : i32
        %lt3A_107 = arith.cmpi slt, %add3A_105, %lt3A_106 : i32
        %convert_element_type3A_108 = arith.extui %lt3A_107 : i1 to i32
        %cond3A_109 = arith.constant 0 : i32
        %cond3A_110 = arith.cmpi ne, %convert_element_type3A_108, %cond3A_109 : i32
        scf.if %cond3A_110 {
          %dma_wait3A_118 = arith.constant 0 : i32
          %dma_wait3A_119 = arith.constant 0 : i32
          %dma_wait3A_120 = tpu.memref_slice %arg13[%dma_wait3A_118, %dma_wait3A_119] : memref<5120x128xf32, #tpu.memory_space<vmem_shared>> -> memref<5120x128xf32, #tpu.memory_space<vmem_shared>>
          tpu.wait_indirect_dma semaphore(%arg12 : memref<!tpu.dma_semaphore, #tpu.memory_space<semaphore_mem>>) src(%arg9 : memref<16x128xf32, #tpu.memory_space<vmem>>) dst(%dma_wait3A_120 : memref<5120x128xf32, #tpu.memory_space<vmem_shared>>)
          %add3A_121 = arith.constant 2 : i32
          %add3A_122 = arith.addi %add3A_77, %add3A_121 : i32
          %get3A_123 = arith.index_cast %add3A_122 : i32 to index
          %get3A_124 = arith.constant 0 : index
          %get3A_125 = tpu.vector_load %arg6[%get3A_123, %get3A_124] {strides = array<i32>} : memref<250x16xi32, #tpu.memory_space<vmem>>, vector<1x16xi32>,
          %get3A_126 = vector.shape_cast %get3A_125 : vector<1x16xi32> to vector<16xi32>
          %dma_start3A_127 = arith.constant 0 : i32
          %dma_start3A_128 = arith.constant 0 : i32
          %dma_start3A_129 = tpu.memref_slice %arg4[%dma_start3A_127, %dma_start3A_128] : memref<10000x128xf32, #tpu.memory_space<hbm>> -> memref<10000x128xf32, #tpu.memory_space<hbm>>
          tpu.enqueue_indirect_dma source(%dma_start3A_129 : memref<10000x128xf32, #tpu.memory_space<hbm>>) target(%arg9 : memref<16x128xf32, #tpu.memory_space<vmem>>) offsets(%get3A_126 : vector<16xi32>) semaphore(%arg11 : memref<!tpu.dma_semaphore, #tpu.memory_space<semaphore_mem>>)
        } else {
        }
        %add3A_111 = arith.constant 2 : i32
        %add3A_112 = arith.addi %add3A_77, %add3A_111 : i32
        %ge3A_113 = arith.constant 250 : i32
        %ge3A_114 = arith.cmpi sge, %add3A_112, %ge3A_113 : i32
        %convert_element_type3A_115 = arith.extui %ge3A_114 : i1 to i32
        %cond3A_116 = arith.constant 0 : i32
        %cond3A_117 = arith.cmpi ne, %convert_element_type3A_115, %cond3A_116 : i32
        scf.if %cond3A_117 {
          %dma_wait3A_118 = arith.constant 0 : i32
          %dma_wait3A_119 = arith.constant 0 : i32
          %dma_wait3A_120 = tpu.memref_slice %arg13[%dma_wait3A_118, %dma_wait3A_119] : memref<5120x128xf32, #tpu.memory_space<vmem_shared>> -> memref<5120x128xf32, #tpu.memory_space<vmem_shared>>
          tpu.wait_indirect_dma semaphore(%arg12 : memref<!tpu.dma_semaphore, #tpu.memory_space<semaphore_mem>>) src(%arg9 : memref<16x128xf32, #tpu.memory_space<vmem>>) dst(%dma_wait3A_120 : memref<5120x128xf32, #tpu.memory_space<vmem_shared>>)
        } else {
        }
      }
      %scan3A_41 = arith.constant 125 : i32
    }
    %scan3A_17 = arith.constant 5 : i32
    %barrier3A_18 = arith.constant 0 : index
    tpu.barrier barrier_id(%barrier3A_18)
    %mul3A_19 = arith.constant 320 : i32
    %mul3A_20 = arith.muli %arg1, %mul3A_19 : i32
    "tpu.region"() ({
      %run_scoped3A = tpu.sem_alloc : memref<!tpu.dma_semaphore, #tpu.memory_space<semaphore_mem>>
      %dma_start3A = arith.constant 0 : i32
      %dma_start3A_21 = arith.constant 0 : i32
      %dma_start3A_22 = tpu.memref_slice %arg5[%arg0, %arg1, %dma_start3A, %dma_start3A_21] : memref<2x16x320x128xf32, #tpu.memory_space<hbm>> -> memref<1x1x320x128xf32, #tpu.memory_space<hbm>>
      %dma_start3A_23 = tpu.memref_squeeze %dma_start3A_22 : memref<1x1x320x128xf32, #tpu.memory_space<hbm>> -> memref<320x128xf32, #tpu.memory_space<hbm>>
      %dma_start3A_24 = arith.constant 0 : i32
      %dma_start3A_25 = tpu.memref_slice %arg13[%mul3A_20, %dma_start3A_24] : memref<5120x128xf32, #tpu.memory_space<vmem_shared>> -> memref<320x128xf32, #tpu.memory_space<vmem_shared>>
      tpu.enqueue_dma source(%dma_start3A_25 : memref<320x128xf32, #tpu.memory_space<vmem_shared>>) target(%dma_start3A_23 : memref<320x128xf32, #tpu.memory_space<hbm>>) target_semaphore(%run_scoped3A : memref<!tpu.dma_semaphore, #tpu.memory_space<semaphore_mem>>)
      %dma_wait3A = arith.constant 0 : i32
      %dma_wait3A_26 = arith.constant 0 : i32
      %dma_wait3A_27 = tpu.memref_slice %arg5[%arg0, %arg1, %dma_wait3A, %dma_wait3A_26] : memref<2x16x320x128xf32, #tpu.memory_space<hbm>> -> memref<1x1x320x128xf32, #tpu.memory_space<hbm>>
      %dma_wait3A_28 = tpu.memref_squeeze %dma_wait3A_27 : memref<1x1x320x128xf32, #tpu.memory_space<hbm>> -> memref<320x128xf32, #tpu.memory_space<hbm>>
      %dma_wait3A_29 = arith.constant 0 : i32
      %dma_wait3A_30 = tpu.memref_slice %arg13[%mul3A_20, %dma_wait3A_29] : memref<5120x128xf32, #tpu.memory_space<vmem_shared>> -> memref<320x128xf32, #tpu.memory_space<vmem_shared>>
      tpu.wait_dma2 semaphore(%run_scoped3A : memref<!tpu.dma_semaphore, #tpu.memory_space<semaphore_mem>>) src(%dma_wait3A_30 : memref<320x128xf32, #tpu.memory_space<vmem_shared>>) dst(%dma_wait3A_28 : memref<320x128xf32, #tpu.memory_space<hbm>>)
      tpu.yield
    }) : () -> ()
    return
  }
}

module attributes {stable_mosaic.version = 14 : i64} {
  func.func @_tc_g_body(%arg0: memref<10000x128xf32, #tpu.memory_space<vmem>>, %arg1: memref<2x5120x128xf32, #tpu.memory_space<vmem>>, %arg2: memref<128x128xf32, #tpu.memory_space<vmem>>, %arg3: memref<10000x128xf32, #tpu.memory_space<vmem>>) attributes {dimension_semantics = [], scalar_prefetch = 0 : i64, scratch_operands = 0 : i64, tpu.core_type = #tpu.core_type<tc>} {
    %get3A = arith.constant 0 : index
    %get3A_0 = arith.constant 0 : index
    %get3A_1 = arith.constant 0 : index
    %get3A_2 = vector.load %arg1[%get3A, %get3A_0, %get3A_1] : memref<2x5120x128xf32, #tpu.memory_space<vmem>>, vector<1x5000x1xf32>
    %get3A_3 = vector.shape_cast %get3A_2 : vector<1x5000x1xf32> to vector<5000x1xf32>
    %get3A_4 = arith.constant 1 : index
    %get3A_5 = arith.constant 0 : index
    %get3A_6 = arith.constant 0 : index
    %get3A_7 = vector.load %arg1[%get3A_4, %get3A_5, %get3A_6] : memref<2x5120x128xf32, #tpu.memory_space<vmem>>, vector<1x5000x1xf32>
    %get3A_8 = vector.shape_cast %get3A_7 : vector<1x5000x1xf32> to vector<5000x1xf32>
    %concatenate3A = tpu.concatenate %get3A_3, %get3A_8 in 0 : vector<5000x1xf32>, vector<5000x1xf32> -> vector<10000x1xf32>
    %gt3A = arith.constant 0.000000e+00 : f32
    %gt3A_9 = vector.broadcast %gt3A : f32 to vector<10000x1xf32>
    %gt3A_10 = arith.cmpf ogt, %concatenate3A, %gt3A_9 : vector<10000x1xf32>
    %rsqrt3A = math.rsqrt %concatenate3A : vector<10000x1xf32>
    %jit3A = arith.constant 0.000000e+00 : f32
    %broadcast_in_dim3A = vector.broadcast %jit3A : f32 to vector<10000x1xf32>
    %select_n3A = arith.select %gt3A_10, %rsqrt3A, %broadcast_in_dim3A : vector<10000x1xi1>, vector<10000x1xf32>
    %get3A_11 = arith.constant 0 : index
    %get3A_12 = arith.constant 0 : index
    %get3A_13 = vector.load %arg0[%get3A_11, %get3A_12] : memref<10000x128xf32, #tpu.memory_space<vmem>>, vector<10000x128xf32>
    %mul3A = vector.broadcast %select_n3A : vector<10000x1xf32> to vector<10000x128xf32>
    %mul3A_14 = arith.mulf %get3A_13, %mul3A : vector<10000x128xf32>
    %get3A_15 = arith.constant 0 : index
    %get3A_16 = arith.constant 0 : index
    %get3A_17 = vector.load %arg2[%get3A_15, %get3A_16] : memref<128x128xf32, #tpu.memory_space<vmem>>, vector<128x128xf32>
    %dot_general3A = arith.constant dense<0.000000e+00> : vector<10000x128xf32>
    %dot_general3A_18 = tpu.matmul %mul3A_14, %get3A_17, %dot_general3A {dimension_numbers = #tpu.dot_dimension_numbers<[1], [0], [0], [1], [0, 0, 1, 1], [], []>, precision = #tpu.contract_precision<fp32>, transpose_lhs_hint = false} : vector<10000x128xf32>, vector<128x128xf32>, vector<10000x128xf32> -> vector<10000x128xf32>
    %swap3A = arith.constant 0 : index
    %swap3A_19 = arith.constant 0 : index
    %swap3A_20 = vector.load %arg3[%swap3A, %swap3A_19] : memref<10000x128xf32, #tpu.memory_space<vmem>>, vector<10000x128xf32>
    tpu.vector_store %arg3[%swap3A, %swap3A_19], %dot_general3A_18 {strides = array<i32>} : memref<10000x128xf32, #tpu.memory_space<vmem>>, vector<10000x128xf32>,
    return
  }
}

module attributes {stable_mosaic.version = 14 : i64} {
  func.func @_tc_head_body(%arg0: memref<2x5120x128xf32, #tpu.memory_space<vmem>>, %arg1: memref<2x5120x128xf32, #tpu.memory_space<vmem>>, %arg2: memref<1x128xf32, #tpu.memory_space<vmem>>, %arg3: memref<128x64xf32, #tpu.memory_space<vmem>>, %arg4: memref<1x64xf32, #tpu.memory_space<vmem>>, %arg5: memref<1x64xf32, #tpu.memory_space<vmem>>, %arg6: memref<1x64xf32, #tpu.memory_space<vmem>>, %arg7: memref<64x64xf32, #tpu.memory_space<vmem>>, %arg8: memref<1x64xf32, #tpu.memory_space<vmem>>, %arg9: memref<10000x64xf32, #tpu.memory_space<vmem>>) attributes {dimension_semantics = [], scalar_prefetch = 0 : i64, scratch_operands = 0 : i64, tpu.core_type = #tpu.core_type<tc>} {
    %get3A = arith.constant 0 : index
    %get3A_0 = arith.constant 0 : index
    %get3A_1 = arith.constant 0 : index
    %get3A_2 = vector.load %arg0[%get3A, %get3A_0, %get3A_1] : memref<2x5120x128xf32, #tpu.memory_space<vmem>>, vector<1x5000x128xf32>
    %get3A_3 = vector.shape_cast %get3A_2 : vector<1x5000x128xf32> to vector<5000x128xf32>
    %get3A_4 = arith.constant 1 : index
    %get3A_5 = arith.constant 0 : index
    %get3A_6 = arith.constant 0 : index
    %get3A_7 = vector.load %arg0[%get3A_4, %get3A_5, %get3A_6] : memref<2x5120x128xf32, #tpu.memory_space<vmem>>, vector<1x5000x128xf32>
    %get3A_8 = vector.shape_cast %get3A_7 : vector<1x5000x128xf32> to vector<5000x128xf32>
    %concatenate3A = tpu.concatenate %get3A_3, %get3A_8 in 0 : vector<5000x128xf32>, vector<5000x128xf32> -> vector<10000x128xf32>
    %get3A_9 = arith.constant 0 : index
    %get3A_10 = arith.constant 0 : index
    %get3A_11 = arith.constant 64 : index
    %get3A_12 = vector.load %arg1[%get3A_9, %get3A_10, %get3A_11] : memref<2x5120x128xf32, #tpu.memory_space<vmem>>, vector<1x5000x1xf32>
    %get3A_13 = vector.shape_cast %get3A_12 : vector<1x5000x1xf32> to vector<5000x1xf32>
    %get3A_14 = arith.constant 1 : index
    %get3A_15 = arith.constant 0 : index
    %get3A_16 = arith.constant 64 : index
    %get3A_17 = vector.load %arg1[%get3A_14, %get3A_15, %get3A_16] : memref<2x5120x128xf32, #tpu.memory_space<vmem>>, vector<1x5000x1xf32>
    %get3A_18 = vector.shape_cast %get3A_17 : vector<1x5000x1xf32> to vector<5000x1xf32>
    %concatenate3A_19 = tpu.concatenate %get3A_13, %get3A_18 in 0 : vector<5000x1xf32>, vector<5000x1xf32> -> vector<10000x1xf32>
    %gt3A = arith.constant 0.000000e+00 : f32
    %gt3A_20 = vector.broadcast %gt3A : f32 to vector<10000x1xf32>
    %gt3A_21 = arith.cmpf ogt, %concatenate3A_19, %gt3A_20 : vector<10000x1xf32>
    %rsqrt3A = math.rsqrt %concatenate3A_19 : vector<10000x1xf32>
    %jit3A = arith.constant 0.000000e+00 : f32
    %broadcast_in_dim3A = vector.broadcast %jit3A : f32 to vector<10000x1xf32>
    %select_n3A = arith.select %gt3A_21, %rsqrt3A, %broadcast_in_dim3A : vector<10000x1xi1>, vector<10000x1xf32>
    %get3A_22 = arith.constant 0 : index
    %get3A_23 = arith.constant 0 : index
    %get3A_24 = vector.load %arg2[%get3A_22, %get3A_23] : memref<1x128xf32, #tpu.memory_space<vmem>>, vector<1x128xf32>
    %get3A_25 = arith.constant 0 : index
    %get3A_26 = arith.constant 0 : index
    %get3A_27 = vector.load %arg3[%get3A_25, %get3A_26] : memref<128x64xf32, #tpu.memory_space<vmem>>, vector<128x64xf32>
    %dot_general3A = arith.constant dense<0.000000e+00> : vector<1x64xf32>
    %dot_general3A_28 = tpu.matmul %get3A_24, %get3A_27, %dot_general3A {dimension_numbers = #tpu.dot_dimension_numbers<[1], [0], [0], [1], [0, 0, 1, 1], [], []>, precision = #tpu.contract_precision<fp32>, transpose_lhs_hint = false} : vector<1x128xf32>, vector<128x64xf32>, vector<1x64xf32> -> vector<1x64xf32>
    %get3A_29 = arith.constant 0 : index
    %get3A_30 = arith.constant 0 : index
    %get3A_31 = vector.load %arg4[%get3A_29, %get3A_30] : memref<1x64xf32, #tpu.memory_space<vmem>>, vector<1x64xf32>
    %add3A = arith.addf %dot_general3A_28, %get3A_31 : vector<1x64xf32>
    %mul3A = vector.broadcast %select_n3A : vector<10000x1xf32> to vector<10000x128xf32>
    %mul3A_32 = arith.mulf %concatenate3A, %mul3A : vector<10000x128xf32>
    %get3A_33 = arith.constant 0 : index
    %get3A_34 = arith.constant 0 : index
    %get3A_35 = vector.load %arg3[%get3A_33, %get3A_34] : memref<128x64xf32, #tpu.memory_space<vmem>>, vector<128x64xf32>
    %dot_general3A_36 = arith.constant dense<0.000000e+00> : vector<10000x64xf32>
    %dot_general3A_37 = tpu.matmul %mul3A_32, %get3A_35, %dot_general3A_36 {dimension_numbers = #tpu.dot_dimension_numbers<[1], [0], [0], [1], [0, 0, 1, 1], [], []>, precision = #tpu.contract_precision<fp32>, transpose_lhs_hint = false} : vector<10000x128xf32>, vector<128x64xf32>, vector<10000x64xf32> -> vector<10000x64xf32>
    %add3A_38 = vector.broadcast %add3A : vector<1x64xf32> to vector<10000x64xf32>
    %add3A_39 = arith.addf %dot_general3A_37, %add3A_38 : vector<10000x64xf32>
    %reduce_sum3A = arith.constant dense<0.000000e+00> : vector<64xf32>
    %reduce_sum3A_40 = vector.multi_reduction <add>, %add3A_39, %reduce_sum3A [0] : vector<10000x64xf32> to vector<64xf32>
    %broadcast_in_dim3A_41 = vector.shape_cast %reduce_sum3A_40 : vector<64xf32> to vector<1x64xf32>
    %div3A = arith.constant 1.000000e+04 : f32
    %div3A_42 = vector.broadcast %div3A : f32 to vector<1x64xf32>
    %div3A_43 = arith.divf %broadcast_in_dim3A_41, %div3A_42 : vector<1x64xf32>
    %sub3A = vector.broadcast %div3A_43 : vector<1x64xf32> to vector<10000x64xf32>
    %sub3A_44 = arith.subf %add3A_39, %sub3A : vector<10000x64xf32>
    %integer_pow3A = arith.mulf %sub3A_44, %sub3A_44 : vector<10000x64xf32>
    %reduce_sum3A_45 = arith.constant dense<0.000000e+00> : vector<64xf32>
    %reduce_sum3A_46 = vector.multi_reduction <add>, %integer_pow3A, %reduce_sum3A_45 [0] : vector<10000x64xf32> to vector<64xf32>
    %broadcast_in_dim3A_47 = vector.shape_cast %reduce_sum3A_46 : vector<64xf32> to vector<1x64xf32>
    %div3A_48 = arith.constant 1.000000e+04 : f32
    %div3A_49 = vector.broadcast %div3A_48 : f32 to vector<1x64xf32>
    %div3A_50 = arith.divf %broadcast_in_dim3A_47, %div3A_49 : vector<1x64xf32>
    %sub3A_51 = vector.broadcast %div3A_43 : vector<1x64xf32> to vector<10000x64xf32>
    %sub3A_52 = arith.subf %add3A_39, %sub3A_51 : vector<10000x64xf32>
    %add3A_53 = arith.constant 9.99999974E-6 : f32
    %add3A_54 = vector.broadcast %add3A_53 : f32 to vector<1x64xf32>
    %add3A_55 = arith.addf %div3A_50, %add3A_54 : vector<1x64xf32>
    %sqrt3A = math.sqrt %add3A_55 : vector<1x64xf32>
    %div3A_56 = vector.broadcast %sqrt3A : vector<1x64xf32> to vector<10000x64xf32>
    %div3A_57 = arith.divf %sub3A_52, %div3A_56 : vector<10000x64xf32>
    %get3A_58 = arith.constant 0 : index
    %get3A_59 = arith.constant 0 : index
    %get3A_60 = vector.load %arg5[%get3A_58, %get3A_59] : memref<1x64xf32, #tpu.memory_space<vmem>>, vector<1x64xf32>
    %mul3A_61 = vector.broadcast %get3A_60 : vector<1x64xf32> to vector<10000x64xf32>
    %mul3A_62 = arith.mulf %div3A_57, %mul3A_61 : vector<10000x64xf32>
    %get3A_63 = arith.constant 0 : index
    %get3A_64 = arith.constant 0 : index
    %get3A_65 = vector.load %arg6[%get3A_63, %get3A_64] : memref<1x64xf32, #tpu.memory_space<vmem>>, vector<1x64xf32>
    %add3A_66 = vector.broadcast %get3A_65 : vector<1x64xf32> to vector<10000x64xf32>
    %add3A_67 = arith.addf %mul3A_62, %add3A_66 : vector<10000x64xf32>
    %max3A = arith.constant 0.000000e+00 : f32
    %max3A_68 = vector.broadcast %max3A : f32 to vector<10000x64xf32>
    %max3A_69 = arith.maximumf %add3A_67, %max3A_68 : vector<10000x64xf32>
    %get3A_70 = arith.constant 0 : index
    %get3A_71 = arith.constant 0 : index
    %get3A_72 = vector.load %arg7[%get3A_70, %get3A_71] : memref<64x64xf32, #tpu.memory_space<vmem>>, vector<64x64xf32>
    %dot_general3A_73 = arith.constant dense<0.000000e+00> : vector<10000x64xf32>
    %dot_general3A_74 = tpu.matmul %max3A_69, %get3A_72, %dot_general3A_73 {dimension_numbers = #tpu.dot_dimension_numbers<[1], [0], [0], [1], [0, 0, 1, 1], [], []>, precision = #tpu.contract_precision<fp32>, transpose_lhs_hint = false} : vector<10000x64xf32>, vector<64x64xf32>, vector<10000x64xf32> -> vector<10000x64xf32>
    %get3A_75 = arith.constant 0 : index
    %get3A_76 = arith.constant 0 : index
    %get3A_77 = vector.load %arg8[%get3A_75, %get3A_76] : memref<1x64xf32, #tpu.memory_space<vmem>>, vector<1x64xf32>
    %add3A_78 = vector.broadcast %get3A_77 : vector<1x64xf32> to vector<10000x64xf32>
    %add3A_79 = arith.addf %dot_general3A_74, %add3A_78 : vector<10000x64xf32>
    %swap3A = arith.constant 0 : index
    %swap3A_80 = arith.constant 0 : index
    %swap3A_81 = vector.load %arg9[%swap3A, %swap3A_80] : memref<10000x64xf32, #tpu.memory_space<vmem>>, vector<10000x64xf32>
    tpu.vector_store %arg9[%swap3A, %swap3A_80], %add3A_79 {strides = array<i32>} : memref<10000x64xf32, #tpu.memory_space<vmem>>, vector<10000x64xf32>,
    return
  }
}

</mosaic_0001>

<sc_bundles>
// kernel: kernel.6.cloned.1.call-start
scs
__scs_entry_jumppad:
0x0: {  	(pc) =	sbr.rel $0x88, $3  }
0x1: {  	(tag) =	ssettag $0x0;
	lr =	simm.s32 $0x1  }
0x2: {  	[smem:$0x3F97] =	sst lr;
	_ =	strace $0xD0000000  }
0x3: {  	_ = 	snop  }
0x4: {  	_ = 	snop  }
0x5: {  	_ = 	snop  }
0x6: {  	_ = 	snop  }
0x7: {  	_ = 	snop  }
__scs_overlays_trampoline_lowered:
0x8: {  	[smem:$0x3FA6] =	sst s0  }
0x9: {  	[smem:$0x3FA7] =	sst s1  }
0xa: {  	[smem:$0x3FA8] =	sst s2  }
0xb: {  	[smem:$0x3FA9] =	sst s3  }
0xc: {  	[smem:$0x3FAA] =	sst s4  }
0xd: {  	[smem:$0x3FAB] =	sst s5  }
0xe: {  	[smem:$0x3FAC] =	sst s6  }
0xf: {  	[smem:$0x3FAD] =	sst s7  }
0x10: {  	[smem:$0x3FAE] =	sst s8  }
0x11: {  	[smem:$0x3FAF] =	sst s9;
	s0 =	simm.s32 @!p0 $0x0  }
0x12: {  	s1 =	sld [smem:$0x3F95];
	s0 =	simm.s32 @p0 $0x1  }
0x13: {  	[smem:$0x3FB0] =	sst s0;
	s0 =	simm.s32 @!p1 $0x0  }
0x14: {  	s2 =	sld [smem:$0x3F94];
	s0 =	simm.s32 @p1 $0x1  }
0x15: {  	[smem:$0x3FB1] =	sst s0;
	s0 =	simm.s32 @!p2 $0x0  }
0x16: {  	s3 =	sld [smem:$0x3FDB];
	s0 =	simm.s32 @p2 $0x1  }
0x17: {  	s4 =	simm.s32 $0x1BF5;
	[smem:$0x3FB3] =	sst s0  }
0x18: {  	s0 =	sld [smem:$0x3F96];
	_ =	swait.ge [sflag:s4], $0x0  }
0x19: {  	s7 =	sld [smem:$0x3F97]  }
0x1a: {  	s8 =	sadd.s32 $0xFFFFE003, lr  }
0x1b: {  	s9 =	sadd.s32 $0xFFFFFEF7, lr;
	s5 =	simm.s32 $0xFFFFFFFF;
	p2 =	slt.u32 s8, $0xFFFFF086  }
0x1c: {  	p1 =	slt.u32 s9, $0xF7A;
	s5 =	simm.s32 @!p2 $0x0  }
0x1d: {  	s5 =	simm.s32 @p1 $0x1;
	p0 =	seq.s32 s7, s2  }
0x1e: {  	s7 =	smul.u32 @!p0 $0xF7A, s2;
	p2 =	seq.s32 @!p0 s5, $0x0  }
0x1f: {  	s9 =	smul.u32 $0xF7A, s1;
	s8 =	simm.s32 @!p0 $0x1BF5;
	p2 =	por !p2, p0  }
0x20: {  	[sflag:s8] =	ssyncset.s32 @!p0 $0xFFFFF086;
	s6 =	sadd.s32 @!p0 s3, s7;
	s7 =	simm.s32 @!p0 $0x108  }
0x21: {  	s3 =	sadd.s32 s3, s9;
	s6 =	sadd.s32 @!p0 $0x88, s6;
	s7 =	simm.s32 @p2 $0x1082  }
0x22: {  	[simem:s7], [sflag:s8] =	dma.local @!p0 [hbm:s6], $0xF7A  }
0x23: {  	s9 =	sor.u32 $0xD0000000, s2;
	s6 =	simm.s32 $0x108;
	_ =	swait.ge @!p0 [sflag:s8], $0x0  }
0x24: {  	s3 =	sadd.s32 $0x88, s3;
	s6 =	simm.s32 @!p1 $0x1082;
	[sflag:s4] =	ssyncset.s32 $0xFFFFF086  }
0x25: {  	[simem:s6], [sflag:s4] =	dma.local [hbm:s3], $0xF7A  }
0x26: {  	[smem:$0x3F97] =	sst s1;
	(tag) =	ssettag s2;
	_ =	strace s9  }
0x27: {  	s1 =	sld [smem:$0x3FA7]  }
0x28: {  	s2 =	sld [smem:$0x3FA8]  }
0x29: {  	s4 =	sld [smem:$0x3FAA]  }
0x2a: {  	p0 =	seq.s32 s5, $0x0;
	s5 =	sld [smem:$0x3FAB]  }
0x2b: {  	s6 =	sld [smem:$0x3FAC]  }
0x2c: {  	s7 =	sld [smem:$0x3FAD]  }
0x2d: {  	s3 =	simm.s32 $0x108;
	s8 =	sld [smem:$0x3FAE]  }
0x2e: {  	s3 =	simm.s32 @!p0 $0x1082;
	s9 =	sld [smem:$0x3FAF]  }
0x2f: {  	lr =	sadd.s32 s0, s3;
	s0 =	sld [smem:$0x3FA6]  }
0x30: {  	s3 =	sld [smem:$0x3FA9]  }
0x31: {  	[smem:$0x3FB2] =	sst s10  }
0x32: {  	s10 =	sld [smem:$0x3FB0];
	_ =	sdelay $0x3  }
0x33: {  	p0 =	seq.s32 s10, $0x1;
	s10 =	sld [smem:$0x3FB2];
	_ =	sdelay $0x3  }
0x34: {  	[smem:$0x3FB2] =	sst s10  }
0x35: {  	s10 =	sld [smem:$0x3FB1];
	_ =	sdelay $0x3  }
0x36: {  	p1 =	seq.s32 s10, $0x1;
	s10 =	sld [smem:$0x3FB2];
	_ =	sdelay $0x3  }
0x37: {  	[smem:$0x3FB2] =	sst s10  }
0x38: {  	s10 =	sld [smem:$0x3FB3]  }
0x39: {  	_ = 	snop;
	(pc) =	sbr.ind lr, $3  }
0x3a: {  	_ = 	snop  }
0x3b: {  	_ = 	snop  }
0x3c: {  	p2 =	seq.s32 s10, $0x1;
	s10 =	sld [smem:$0x3FB2]  }
0x3d: {  	_ =	shalt  }
0x3e: {  	_ =	shalt  }
0x3f: {  	_ =	shalt  }
0x40: {  	_ =	shalt  }
0x41: {  	_ =	shalt  }
0x42: {  	_ =	shalt  }
0x43: {  	_ =	shalt  }
0x44: {  	_ =	shalt  }
0x45: {  	_ =	shalt  }
0x46: {  	_ =	shalt  }
0x47: {  	_ =	shalt  }
0x48: {  	_ =	shalt  }
0x49: {  	_ =	shalt  }
0x4a: {  	_ =	shalt  }
0x4b: {  	_ =	shalt  }
0x4c: {  	_ =	shalt  }
0x4d: {  	_ =	shalt  }
0x4e: {  	_ =	shalt  }
0x4f: {  	_ =	shalt  }
0x50: {  	_ =	shalt  }
0x51: {  	_ =	shalt  }
0x52: {  	_ =	shalt  }
0x53: {  	_ =	shalt  }
0x54: {  	_ =	shalt  }
0x55: {  	_ =	shalt  }
0x56: {  	_ =	shalt  }
0x57: {  	_ =	shalt  }
0x58: {  	_ =	shalt  }
0x59: {  	_ =	shalt  }
0x5a: {  	_ =	shalt  }
0x5b: {  	_ =	shalt  }
0x5c: {  	_ =	shalt  }
0x5d: {  	_ =	shalt  }
0x5e: {  	_ =	shalt  }
0x5f: {  	_ =	shalt  }
0x60: {  	_ =	shalt  }
0x61: {  	_ =	shalt  }
0x62: {  	_ =	shalt  }
0x63: {  	_ =	shalt  }
0x64: {  	_ =	shalt  }
0x65: {  	_ =	shalt  }
0x66: {  	_ =	shalt  }
0x67: {  	_ =	shalt  }
0x68: {  	_ =	shalt  }
0x69: {  	_ =	shalt  }
0x6a: {  	_ =	shalt  }
0x6b: {  	_ =	shalt  }
0x6c: {  	_ =	shalt  }
0x6d: {  	_ =	shalt  }
0x6e: {  	_ =	shalt  }
0x6f: {  	_ =	shalt  }
0x70: {  	_ =	shalt  }
0x71: {  	_ =	shalt  }
0x72: {  	_ =	shalt  }
0x73: {  	_ =	shalt  }
0x74: {  	_ =	shalt  }
0x75: {  	_ =	shalt  }
0x76: {  	_ =	shalt  }
0x77: {  	_ =	shalt  }
0x78: {  	_ =	shalt  }
0x79: {  	_ =	shalt  }
0x7a: {  	_ =	shalt  }
0x7b: {  	_ =	shalt  }
0x7c: {  	_ =	shalt  }
0x7d: {  	_ =	shalt  }
0x7e: {  	_ =	shalt  }
0x7f: {  	_ =	shalt  }
0x80: {  	_ =	shalt  }
0x81: {  	_ =	shalt  }
0x82: {  	_ =	shalt  }
0x83: {  	_ =	shalt  }
0x84: {  	_ =	shalt  }
0x85: {  	_ =	shalt  }
0x86: {  	_ =	shalt  }
0x87: {  	_ =	shalt  }
.Lfunc_end0:
.L_simem_size_0:
called_computation_lowered:
.L_overlay_start_0:
0x88: {  	s2 =	sld [smem:$0x3FD9]  }
0x89: {  	s3 =	sld [smem:$0x3FFE];
	_ =	sdelay $0x1  }
0x8a: {  	s1 =	srdreg.scid  }
0x8b: {  	s0 =	sand.u32 $0x1, s1  }
0x8c: {  	s16 =	sshll.u32 s0, $0xA;
	s2 =	sadd.s32 s3, s2  }
0x8d: {  	s2 =	sadd.s32 s2, s16  }
0x8e: {  	[smem:$0x3FBE] =	sst s2  }
0x8f: {  	_ = 	snop  }
0x90: {  	(tm) =	ssettm $0x1  }
0x91: {  	s17 =	sld [smem:$0x3FFB];
	_ =	sdelay $0x3  }
0x92: {  	_ =	strace s17  }
0x93: {  	s2 =	sld [smem:$0x3FFC];
	_ =	sdelay $0x3  }
0x94: {  	_ =	strace s2  }
0x95: {  	s2 =	sld [smem:$0x3FFD];
	_ =	sdelay $0x3  }
0x96: {  	_ =	strace s2  }
0x97: {  	_ =	strace $0x8FFFFFFF  }
0x98: {  	s18 =	sld [smem:$0x3FDB];
	_ =	sdelay $0x1  }
0x99: {  	s19 =	simm.s32 $_scs_section_size  }
0x9a: {  	s4 =	simm.s32 $_size__tile_overlayer_lowered;
	s5 =	simm.s32 $_tile_overlayer_lowered  }
0x9b: {  	s22 =	simm.s32 $0x1BFF;
	s21 =	sshll.u32 s5, $0x1;
	s2 =	sadd.s32 s19, s18  }
0x9c: {  	s6 =	simm.s32 $0x0;
	s20 =	sshll.u32 s4, $0x1;
	s4 =	sadd.s32 s21, s2  }
0x9d: {  	[timem:s6], [sflag:s22] =	dma.local [hbm:s4], s20  }
0x9e: {  	_ =	swait.ge [sflag:s22], s20  }
0x9f: {  	s3 =	ssub.s32 $0x0, s20;
	[sflag:s22] =	ssyncset.done $0x0  }
0xa0: {  	[sflag:s22] =	ssyncadd.s32 s3;
	_ =	sdelay $0x1  }
0xa1: {  	s23 =	simm.s32 $0x1B8B  }
0xa2: {  	_ =	swait.ge [sflag:s23], $0x1  }
0xa3: {  	[sflag:s23] =	ssyncset.done $0x0  }
0xa4: {  	s25 =	simm.s32 $0x1B8E;
	s24 =	sld [smem:$0x3FFE];
	[sflag:s23] =	ssyncadd.s32 $0xFFFFFFFF  }
0xa5: {  	s26 =	simm.s32 $execute0_lowered;
	[smem:$0x3FD2] =	sst s25  }
0xa6: {  	s4 =	sshll.u32 s26, $0x1;
	_ =	strace $0x80000046;
	[dreg:$0x1] =	wrdreg $0xFFFFFFFF  }
0xa7: {  	s28 =	simm.s32 $_size_execute0_lowered;
	s2 =	sadd.s32 s2, s4;
	[dreg:$0x0] =	wrdreg $0x0  }
0xa8: {  	s4 =	sshll.u32 s28, $0x1;
	[dreg:$0x2] =	wrdreg s2  }
0xa9: {  	[dreg:$0x3] =	wrdreg s4  }
0xaa: {  	[dreg:$0x4] =	wrdreg $0xC0  }
0xab: {  	_ =	task [dreg:s6], $0x5FFFF  }
0xac: {  	[dreg:$0x1] =	wrdreg $0xFFFFFFFF  }
0xad: {  	[dreg:$0x0] =	wrdreg $0x60  }
0xae: {  	[dreg:$0x2] =	wrdreg s24  }
0xaf: {  	[dreg:$0x3] =	wrdreg $0x110000  }
0xb0: {  	[dreg:$0x4] =	wrdreg $0x9  }
0xb1: {  	_ =	task.clear_ibuf [dreg:s6], $0x5FFFF;
	_ =	strace $0x90000046  }
0xb2: {  	s29 =	simm.s32 $0x9;
	_ =	strace $0x80000048  }
0xb3: {  	_ =	swait.ge [sflag:s29], $0x1  }
0xb4: {  	[sflag:s29] =	ssyncadd.s32 $0xFFFFFFFF  }
0xb5: {  	_ =	strace $0x90000048  }
0xb6: {  	_ =	sfence  }
0xb7: {  	s30 =	sld [smem:$0x0];
	_ =	sdelay $0x2  }
0xb8: {  	s31 =	sshll.u32 s1, $0xD;
	s1 =	sshrl.u32 s1, $0x2  }
0xb9: {  	s3 =	sand.u32 $0x4000, s31;
	s1 =	sadd.s32 s1, s30  }
0xba: {  	s0 =	sor.u32 s3, s0;
	s1 =	sshll.u32 s1, $0x11  }
0xbb: {  	s0 =	sor.u32 s1, s0  }
0xbc: {  	s0 =	sadd.s32 $0x8F2B, s0  }
0xbd: {  	[sflag:s0] =	ssyncadd.remote.s32 $0x1  }
0xbe: {  	_ =	sfence.sel $0xFFFF  }
0xbf: {  	[dreg:$0x0] =	wrdreg $0xFFFFFFFF;
	(pc) =	sbr.abs _section_cstart, $3  }
0xc0: {  	[dreg:$0x1] =	wrdreg $0xFFFFFFFF  }
0xc1: {  	_ =	task.clear_ibuf [dreg:s6], $0x2FFFF;
	_ =	strace $0x9FFFFFFF  }
0xc2: {  	(tm) =	ssettm $0x7FFFFFFF  }
0xc3: {  	_ =	shalt  }
tec
execute0_lowered:
.L_overlay_start_1:
0x0: {  	(tag) =	ssettag $0x1  }
0x1: {  	s0 =	rddreg [dreg:$0x0]  }
0x2: {  	s1 =	rddreg [dreg:$0x1];
	s2 =	srdreg.scid  }
0x3: {  	s3 =	simm.s32 $0x0;
	s10 =	stileid.u32;
	s31 =	simm.s32 $0x10000  }
0x4: {  	s2 =	sand.u32 $0x1, s2;
	[smem:$0x7FF] =	sst s3;
	s6 =	smul.u32 $0xA000, s10  }
0x5: {  	s4 =	sadd.s32 $0x1E00, s0;
	s13 =	sshll.u32 s10, $0xB;
	s5 =	smul.u32 $0xA0000, s2  }
0x6: {  	_ =	strace $0x80000047;
	s7 =	ssub.s32 $0x2, s2;
	s2 =	smul.u32 $0x1388, s2  }
0x7: {  	s9 =	sshrl.u32 s7, $0x1;
	s5 =	sadd.s32 s6, s5;
	s6 =	sadd.s32 $0x51E00, s0  }
0x8: {  	s12 =	ssub.s32 s7, s9;
	s7 =	sadd.s32 s13, s1;
	v0 =	vmov s2;
	s2 =	simm.s32 $0x8000  }
0x9: {  	s9 =	simm.s32 $0x1;
	s8 =	sshrl.u32 s5, $0x3;
	s5 =	smul.u32 $0x28000, s10  }
0xa: {  	s21 =	sadd.s32 $0x8000, s7;
	s22 =	sadd.s32 $0x10000, s7;
	s23 =	sadd.s32 $0x18000, s7  }
0xb: {  	s24 =	sadd.s32 $0x20000, s7;
	s25 =	sadd.s32 $0x28000, s7;
	s26 =	sadd.s32 $0x30000, s7  }
0xc: {  	s16 =	sadd.s32 $0x38000, s7;
	s17 =	sadd.s32 $0x40000, s7;
	[dreg:$0x5] =	wrdreg s21  }
0xd: {  	s18 =	sadd.s32 $0x48000, s7;
	s19 =	sadd.s32 $0x50000, s7;
	[dreg:$0x6] =	wrdreg s22  }
0xe: {  	s20 =	sadd.s32 $0x58000, s7;
	s28 =	sadd.s32 $0x88000, s7;
	[dreg:$0x7] =	wrdreg s23  }
0xf: {  	s29 =	sadd.s32 $0x90000, s7;
	s30 =	sadd.s32 $0x98000, s7;
	[dreg:$0x8] =	wrdreg s24  }
0x10: {  	s10 =	simm.s32 $0x0;
	s0 =	sadd.s32 s8, s0;
	[dreg:$0x9] =	wrdreg s25  }
0x11: {  	s8 =	smax.u32 s12, $0x1;
	[dreg:$0xa] =	wrdreg s26;
	s21 =	sadd.s32 $0x60000, s7  }
0x12: {  	s22 =	sadd.s32 $0x68000, s7;
	s23 =	sadd.s32 $0x70000, s7;
	s25 =	sadd.s32 $0x78000, s7  }
0x13: {  	s26 =	sadd.s32 $0x80000, s7;
	s14 =	sshrl.u32 s5, $0x2;
	s0 =	sadd.s32 $0xA1E00, s0  }
0x14: {  	[dreg:$0x4] =	wrdreg s8;
	s8 =	simm.s32 $0x10800;
	s15 =	sadd.s32 s14, s1  }
0x15: {  	v1 =	vimm.f32 $0.0e+00;
	v2 =	vimm.f32 $1.000000000e+00;
	vm0 =	vmmov $0xffff;
	[dreg:$0x3] =	wrdreg s0;
	s0 =	simm.s32 $0x2;
	s24 =	sshrl.u32 s15, $0x3  }
.LBB2_1:
0x16: {  	s11 =	simm.s32 $0x0;
	s12 =	simm.s32 $0x200  }
.LBB2_2:
0x17: {  	p0 =	sne.s32 s12, $0x1E00;
	[tilespmem:s11+$0x10070] =	vst v1  }
0x18: {  	[tilespmem:s11+$0x10000] =	vst v1  }
0x19: {  	[tilespmem:s11+$0x10010] =	vst v1  }
.Ltmp0:
0x1a: {  	[tilespmem:s11+$0x10020] =	vst v1;
	(pc) =	sbr.rel @p0 .LBB2_2-.Ltmp0, $4  }
0x1b: {  	[tilespmem:s11+$0x10030] =	vst v1  }
0x1c: {  	[tilespmem:s11+$0x10040] =	vst v1  }
0x1d: {  	[tilespmem:s11+$0x10050] =	vst v1  }
0x1e: {  	[tilespmem:s11+$0x10060] =	vst v1;
	s11 =	sshra.s32 s12, $0x2;
	s12 =	sadd.s32 $0x200, s12  }
0x1f: {  	[tilespmem:s11+$0x10070] =	vst v1  }
0x20: {  	[tilespmem:s11+$0x10000] =	vst v1  }
0x21: {  	[tilespmem:s11+$0x10010] =	vst v1  }
0x22: {  	[tilespmem:s11+$0x10020] =	vst v1  }
0x23: {  	[tilespmem:s11+$0x10030] =	vst v1  }
0x24: {  	[tilespmem:s11+$0x10040] =	vst v1  }
0x25: {  	[tilespmem:s11+$0x10050] =	vst v1  }
0x26: {  	[tilespmem:s11+$0x10060] =	vst v1  }
0x27: {  	[spmem:s7] =	stream.linear.scatter [tilespmem:s31], [sflag:$0x2], $0x800, $0x38;
	[tilespmem:$0x1B000] =	vst v63  }
0x28: {  	_ =	swait.ge [sflag:s0], $0x800  }
0x29: {  	[sflag:s0] =	ssyncset.done $0x0  }
0x2a: {  	s14 =	rddreg [dreg:$0x5];
	[sflag:s0] =	ssyncadd.s32 $0xFFFFF800  }
0x2b: {  	[spmem:s14] =	stream.linear.scatter [tilespmem:s31], [sflag:$0x2], $0x800, $0x38;
	[tilespmem:$0x1B000] =	vst v63  }
0x2c: {  	_ =	swait.ge [sflag:s0], $0x800  }
0x2d: {  	[sflag:s0] =	ssyncset.done $0x0  }
0x2e: {  	s15 =	rddreg [dreg:$0x6];
	[sflag:s0] =	ssyncadd.s32 $0xFFFFF800  }
0x2f: {  	[spmem:s15] =	stream.linear.scatter [tilespmem:s31], [sflag:$0x2], $0x800, $0x38;
	[tilespmem:$0x1B000] =	vst v63  }
0x30: {  	_ =	swait.ge [sflag:s0], $0x800  }
0x31: {  	[sflag:s0] =	ssyncset.done $0x0  }
0x32: {  	s12 =	rddreg [dreg:$0x7];
	[sflag:s0] =	ssyncadd.s32 $0xFFFFF800  }
0x33: {  	[spmem:s12] =	stream.linear.scatter [tilespmem:s31], [sflag:$0x2], $0x800, $0x38;
	[tilespmem:$0x1B000] =	vst v63  }
0x34: {  	_ =	swait.ge [sflag:s0], $0x800  }
0x35: {  	[sflag:s0] =	ssyncset.done $0x0  }
0x36: {  	s13 =	rddreg [dreg:$0x8];
	[sflag:s0] =	ssyncadd.s32 $0xFFFFF800  }
0x37: {  	[spmem:s13] =	stream.linear.scatter [tilespmem:s31], [sflag:$0x2], $0x800, $0x38;
	[tilespmem:$0x1B000] =	vst v63  }
0x38: {  	_ =	swait.ge [sflag:s0], $0x800  }
0x39: {  	[sflag:s0] =	ssyncset.done $0x0  }
0x3a: {  	s14 =	rddreg [dreg:$0x9];
	[sflag:s0] =	ssyncadd.s32 $0xFFFFF800  }
0x3b: {  	[spmem:s14] =	stream.linear.scatter [tilespmem:s31], [sflag:$0x2], $0x800, $0x38;
	[tilespmem:$0x1B000] =	vst v63  }
0x3c: {  	_ =	swait.ge [sflag:s0], $0x800  }
0x3d: {  	[sflag:s0] =	ssyncset.done $0x0  }
0x3e: {  	s15 =	rddreg [dreg:$0xa];
	[sflag:s0] =	ssyncadd.s32 $0xFFFFF800  }
0x3f: {  	[spmem:s15] =	stream.linear.scatter [tilespmem:s31], [sflag:$0x2], $0x800, $0x38;
	[tilespmem:$0x1B000] =	vst v63  }
0x40: {  	_ =	swait.ge [sflag:s0], $0x800  }
0x41: {  	[sflag:s0] =	ssyncset.done $0x0  }
0x42: {  	[sflag:s0] =	ssyncadd.s32 $0xFFFFF800  }
0x43: {  	[spmem:s16] =	stream.linear.scatter [tilespmem:s31], [sflag:$0x2], $0x800, $0x38;
	[tilespmem:$0x1B000] =	vst v63  }
0x44: {  	_ =	swait.ge [sflag:s0], $0x800  }
0x45: {  	[sflag:s0] =	ssyncset.done $0x0  }
0x46: {  	[sflag:s0] =	ssyncadd.s32 $0xFFFFF800  }
0x47: {  	[spmem:s17] =	stream.linear.scatter [tilespmem:s31], [sflag:$0x2], $0x800, $0x38;
	[tilespmem:$0x1B000] =	vst v63  }
0x48: {  	_ =	swait.ge [sflag:s0], $0x800  }
0x49: {  	[sflag:s0] =	ssyncset.done $0x0  }
0x4a: {  	[sflag:s0] =	ssyncadd.s32 $0xFFFFF800  }
0x4b: {  	[spmem:s18] =	stream.linear.scatter [tilespmem:s31], [sflag:$0x2], $0x800, $0x38;
	[tilespmem:$0x1B000] =	vst v63  }
0x4c: {  	_ =	swait.ge [sflag:s0], $0x800  }
0x4d: {  	[sflag:s0] =	ssyncset.done $0x0  }
0x4e: {  	[sflag:s0] =	ssyncadd.s32 $0xFFFFF800  }
0x4f: {  	[spmem:s19] =	stream.linear.scatter [tilespmem:s31], [sflag:$0x2], $0x800, $0x38;
	[tilespmem:$0x1B000] =	vst v63  }
0x50: {  	_ =	swait.ge [sflag:s0], $0x800  }
0x51: {  	[sflag:s0] =	ssyncset.done $0x0  }
0x52: {  	[sflag:s0] =	ssyncadd.s32 $0xFFFFF800  }
0x53: {  	[spmem:s20] =	stream.linear.scatter [tilespmem:s31], [sflag:$0x2], $0x800, $0x38;
	[tilespmem:$0x1B000] =	vst v63  }
0x54: {  	_ =	swait.ge [sflag:s0], $0x800  }
0x55: {  	[sflag:s0] =	ssyncset.done $0x0  }
0x56: {  	[sflag:s0] =	ssyncadd.s32 $0xFFFFF800  }
0x57: {  	[spmem:s21] =	stream.linear.scatter [tilespmem:s31], [sflag:$0x2], $0x800, $0x38;
	[tilespmem:$0x1B000] =	vst v63  }
0x58: {  	_ =	swait.ge [sflag:s0], $0x800  }
0x59: {  	[sflag:s0] =	ssyncset.done $0x0  }
0x5a: {  	[sflag:s0] =	ssyncadd.s32 $0xFFFFF800  }
0x5b: {  	[spmem:s22] =	stream.linear.scatter [tilespmem:s31], [sflag:$0x2], $0x800, $0x38;
	[tilespmem:$0x1B000] =	vst v63  }
0x5c: {  	_ =	swait.ge [sflag:s0], $0x800  }
0x5d: {  	[sflag:s0] =	ssyncset.done $0x0  }
0x5e: {  	[sflag:s0] =	ssyncadd.s32 $0xFFFFF800  }
0x5f: {  	[spmem:s23] =	stream.linear.scatter [tilespmem:s31], [sflag:$0x2], $0x800, $0x38;
	[tilespmem:$0x1B000] =	vst v63  }
0x60: {  	_ =	swait.ge [sflag:s0], $0x800  }
0x61: {  	[sflag:s0] =	ssyncset.done $0x0  }
0x62: {  	[sflag:s0] =	ssyncadd.s32 $0xFFFFF800  }
0x63: {  	[spmem:s25] =	stream.linear.scatter [tilespmem:s31], [sflag:$0x2], $0x800, $0x38;
	[tilespmem:$0x1B000] =	vst v63  }
0x64: {  	_ =	swait.ge [sflag:s0], $0x800  }
0x65: {  	[sflag:s0] =	ssyncset.done $0x0  }
0x66: {  	[sflag:s0] =	ssyncadd.s32 $0xFFFFF800  }
0x67: {  	[spmem:s26] =	stream.linear.scatter [tilespmem:s31], [sflag:$0x2], $0x800, $0x38;
	[tilespmem:$0x1B000] =	vst v63  }
0x68: {  	_ =	swait.ge [sflag:s0], $0x800  }
0x69: {  	[sflag:s0] =	ssyncset.done $0x0  }
0x6a: {  	[sflag:s0] =	ssyncadd.s32 $0xFFFFF800  }
0x6b: {  	[spmem:s28] =	stream.linear.scatter [tilespmem:s31], [sflag:$0x2], $0x800, $0x38;
	[tilespmem:$0x1B000] =	vst v63  }
0x6c: {  	_ =	swait.ge [sflag:s0], $0x800  }
0x6d: {  	[sflag:s0] =	ssyncset.done $0x0  }
0x6e: {  	[sflag:s0] =	ssyncadd.s32 $0xFFFFF800  }
0x6f: {  	[spmem:s29] =	stream.linear.scatter [tilespmem:s31], [sflag:$0x2], $0x800, $0x38;
	[tilespmem:$0x1B000] =	vst v63  }
0x70: {  	_ =	swait.ge [sflag:s0], $0x800  }
0x71: {  	[sflag:s0] =	ssyncset.done $0x0  }
0x72: {  	[sflag:s0] =	ssyncadd.s32 $0xFFFFF800  }
0x73: {  	[spmem:s30] =	stream.linear.scatter [tilespmem:s31], [sflag:$0x2], $0x800, $0x38;
	[tilespmem:$0x1B000] =	vst v63  }
0x74: {  	_ =	swait.ge [sflag:s0], $0x800  }
0x75: {  	[sflag:s0] =	ssyncset.done $0x0  }
0x76: {  	s11 =	simm.s32 $0x0;
	s12 =	simm.s32 $0x200;
	[sflag:s0] =	ssyncadd.s32 $0xFFFFF800  }
.LBB2_4:
0x77: {  	p0 =	sne.s32 s12, $0x1E00;
	[tilespmem:s11+$0x10870] =	vst v2  }
0x78: {  	[tilespmem:s11+$0x10000] =	vst v2  }
0x79: {  	[tilespmem:s11+$0x10800] =	vst v1  }
0x7a: {  	[tilespmem:s11+$0x10010] =	vst v2  }
0x7b: {  	[tilespmem:s11+$0x10810] =	vst v1  }
0x7c: {  	[tilespmem:s11+$0x10020] =	vst v2  }
0x7d: {  	[tilespmem:s11+$0x10820] =	vst v1  }
0x7e: {  	[tilespmem:s11+$0x10030] =	vst v2  }
0x7f: {  	[tilespmem:s11+$0x10830] =	vst v1  }
0x80: {  	[tilespmem:s11+$0x10040] =	vst v1  }
0x81: {  	[tilespmem:s11+$0x10840] =	vst v2  }
.Ltmp1:
0x82: {  	[tilespmem:s11+$0x10050] =	vst v1;
	(pc) =	sbr.rel @p0 .LBB2_4-.Ltmp1, $4  }
0x83: {  	[tilespmem:s11+$0x10850] =	vst v2  }
0x84: {  	[tilespmem:s11+$0x10060] =	vst v1  }
0x85: {  	[tilespmem:s11+$0x10860] =	vst v2  }
0x86: {  	[tilespmem:s11+$0x10070] =	vst v1;
	s11 =	sshra.s32 s12, $0x2;
	s12 =	sadd.s32 $0x200, s12  }
0x87: {  	[tilespmem:s11+$0x10870] =	vst v2  }
0x88: {  	[tilespmem:s11+$0x10000] =	vst v2  }
0x89: {  	[tilespmem:s11+$0x10800] =	vst v1  }
0x8a: {  	[tilespmem:s11+$0x10010] =	vst v2  }
0x8b: {  	[tilespmem:s11+$0x10810] =	vst v1  }
0x8c: {  	[tilespmem:s11+$0x10020] =	vst v2  }
0x8d: {  	[tilespmem:s11+$0x10820] =	vst v1  }
0x8e: {  	[tilespmem:s11+$0x10030] =	vst v2  }
0x8f: {  	[tilespmem:s11+$0x10830] =	vst v1  }
0x90: {  	[tilespmem:s11+$0x10040] =	vst v1  }
0x91: {  	[tilespmem:s11+$0x10840] =	vst v2  }
0x92: {  	[tilespmem:s11+$0x10050] =	vst v1  }
0x93: {  	[tilespmem:s11+$0x10850] =	vst v2  }
0x94: {  	[tilespmem:s11+$0x10060] =	vst v1  }
0x95: {  	[tilespmem:s11+$0x10860] =	vst v2  }
0x96: {  	[tilespmem:s11+$0x10070] =	vst v1  }
0x97: {  	s11 =	simm.s32 $0x0;
	[bflag:$0x0] =	sbarrier.arrive $0xFFFF  }
.LBB2_6:
0x98: {  	s12 =	sshll.u32 s11, $0xF  }
0x99: {  	s12 =	sadd.s32 s5, s12  }
0x9a: {  	s12 =	sshrl.u32 s12, $0x3  }
0x9b: {  	s13 =	sadd.s32 s4, s12  }
0x9c: {  	[tilespmem:s3], [sflag:$0x2] =	stream.linear.gather [hbm4b:s13+s3], $0x7D00, $0x38;
	[tilespmem:$0x1B000] =	vst v63  }
0x9d: {  	_ =	swait.ge [sflag:s0], $0x7D00  }
0x9e: {  	[sflag:s0] =	ssyncset.done $0x0  }
0x9f: {  	s12 =	sadd.s32 s6, s12;
	[sflag:s0] =	ssyncadd.s32 $0xFFFF8300  }
0xa0: {  	[tilespmem:s2], [sflag:$0x2] =	stream.linear.gather [hbm4b:s12+s3], $0x7D00, $0x38;
	[tilespmem:$0x1B000] =	vst v63  }
0xa1: {  	_ =	swait.ge [sflag:s0], $0x7D00  }
0xa2: {  	[sflag:s0] =	ssyncset.done $0x0  }
0xa3: {  	[sflag:s0] =	ssyncadd.s32 $0xFFFF8300  }
0xa4: {  	v3 =	vld [tilespmem:$0x0];
	_ =	sdelay $0x1  }
0xa5: {  	v4 =	vld [tilespmem:$0x8000];
	_ =	sdelay $0x2  }
0xa6: {  	v3 =	vsub.s32 v3, v0  }
0xa7: {  	v3 =	vmin.u32 v3, $0x1388  }
0xa8: {  	v4 =	vsub.s32 v4, v0  }
0xa9: {  	v4 =	vmin.u32 v4, $0x1388;
	_ =	sdelay $0x2  }
0xaa: {  	[spmem:s1] =	stream.indirect_vreg.scatter.add.f32 [tilespmem:s31], [sflag:$0x1], $0x80, v3, vm0, $0xb8;
	[tilespmem:$0x1B000] =	vst v63  }
0xab: {  	_ = 	snop  }
0xac: {  	[spmem:s1] =	stream.indirect_vreg.scatter.add.f32 [tilespmem:s8], [sflag:$0x1], $0x80, v4, vm0, $0xb8;
	[tilespmem:$0x1B000] =	vst v63  }
0xad: {  	v3 =	vld [tilespmem:$0x80];
	_ =	sdelay $0x1  }
0xae: {  	v4 =	vld [tilespmem:$0x8080];
	_ =	sdelay $0x2  }
0xaf: {  	v3 =	vsub.s32 v3, v0  }
0xb0: {  	v3 =	vmin.u32 v3, $0x1388  }
0xb1: {  	v4 =	vsub.s32 v4, v0  }
0xb2: {  	v4 =	vmin.u32 v4, $0x1388;
	_ =	sdelay $0x2  }
0xb3: {  	[spmem:s1] =	stream.indirect_vreg.scatter.add.f32 [tilespmem:s31], [sflag:$0x1], $0x80, v3, vm0, $0xb8;
	[tilespmem:$0x1B000] =	vst v63  }
0xb4: {  	s15 =	simm.s32 $0x100  }
0xb5: {  	[spmem:s1] =	stream.indirect_vreg.scatter.add.f32 [tilespmem:s8], [sflag:$0x1], $0x80, v4, vm0, $0xb8;
	[tilespmem:$0x1B000] =	vst v63  }
0xb6: {  	v3 =	vld [tilespmem:s15+$0x0];
	_ =	sdelay $0x1  }
0xb7: {  	v4 =	vld [tilespmem:s15+$0x8000];
	_ =	sdelay $0x2  }
0xb8: {  	v3 =	vsub.s32 v3, v0  }
0xb9: {  	v3 =	vmin.u32 v3, $0x1388  }
0xba: {  	v4 =	vsub.s32 v4, v0  }
0xbb: {  	v4 =	vmin.u32 v4, $0x1388;
	_ =	sdelay $0x2  }
0xbc: {  	[spmem:s1] =	stream.indirect_vreg.scatter.add.f32 [tilespmem:s31], [sflag:$0x1], $0x80, v3, vm0, $0xb8;
	[tilespmem:$0x1B000] =	vst v63  }
0xbd: {  	_ = 	snop  }
0xbe: {  	[spmem:s1] =	stream.indirect_vreg.scatter.add.f32 [tilespmem:s8], [sflag:$0x1], $0x80, v4, vm0, $0xb8;
	[tilespmem:$0x1B000] =	vst v63  }
0xbf: {  	_ =	swait.ge [sflag:s9], $0x800  }
0xc0: {  	[sflag:s9] =	ssyncset.done $0x0  }
0xc1: {  	[sflag:s9] =	ssyncadd.s32 $0xFFFFF800  }
0xc2: {  	_ =	swait.ge [sflag:s9], $0x800  }
0xc3: {  	s13 =	simm.s32 $0x800;
	s12 =	simm.s32 $0x600;
	[sflag:s9] =	ssyncset.done $0x0  }
.LBB2_7:
0xc4: {  	s14 =	sshra.s32 s12, $0x2  }
0xc5: {  	[sflag:s9] =	ssyncadd.s32 $0xFFFFF800;
	s12 =	smov.u32 s13;
	s15 =	sadd.s32 $0x200, s13  }
0xc6: {  	p0 =	sne.s32 s13, $0x1F200;
	v3 =	vld [tilespmem:s14+$0x0];
	_ =	sdelay $0x1  }
0xc7: {  	v4 =	vld [tilespmem:s14+$0x8000];
	_ =	sdelay $0x2  }
0xc8: {  	v3 =	vsub.s32 v3, v0  }
0xc9: {  	v3 =	vmin.u32 v3, $0x1388  }
0xca: {  	v4 =	vsub.s32 v4, v0  }
0xcb: {  	v4 =	vmin.u32 v4, $0x1388;
	_ =	sdelay $0x2  }
0xcc: {  	[spmem:s1] =	stream.indirect_vreg.scatter.add.f32 [tilespmem:s31], [sflag:$0x1], $0x80, v3, vm0, $0xb8;
	[tilespmem:$0x1B000] =	vst v63  }
0xcd: {  	_ = 	snop  }
0xce: {  	[spmem:s1] =	stream.indirect_vreg.scatter.add.f32 [tilespmem:s8], [sflag:$0x1], $0x80, v4, vm0, $0xb8;
	[tilespmem:$0x1B000] =	vst v63  }
.Ltmp2:
0xcf: {  	_ =	swait.ge [sflag:s9], $0x800;
	(pc) =	sbr.rel @p0 .LBB2_7-.Ltmp2, $4  }
0xd0: {  	[sflag:s9] =	ssyncset.done $0x0  }
0xd1: {  	[sflag:s9] =	ssyncadd.s32 $0xFFFFF800  }
0xd2: {  	_ =	swait.ge [sflag:s9], $0x800  }
0xd3: {  	s13 =	smov.u32 s15;
	[sflag:s9] =	ssyncset.done $0x0  }
0xd4: {  	s12 =	sshra.s32 s12, $0x2;
	[sflag:s9] =	ssyncadd.s32 $0xFFFFF800  }
0xd5: {  	v3 =	vld [tilespmem:s12+$0x0];
	_ =	sdelay $0x1  }
0xd6: {  	v4 =	vld [tilespmem:s12+$0x8000];
	_ =	sdelay $0x2  }
0xd7: {  	v3 =	vsub.s32 v3, v0  }
0xd8: {  	v3 =	vmin.u32 v3, $0x1388  }
0xd9: {  	v4 =	vsub.s32 v4, v0  }
0xda: {  	v4 =	vmin.u32 v4, $0x1388;
	_ =	sdelay $0x2  }
0xdb: {  	[spmem:s1] =	stream.indirect_vreg.scatter.add.f32 [tilespmem:s31], [sflag:$0x1], $0x80, v3, vm0, $0xb8;
	[tilespmem:$0x1B000] =	vst v63  }
0xdc: {  	_ = 	snop  }
0xdd: {  	[spmem:s1] =	stream.indirect_vreg.scatter.add.f32 [tilespmem:s8], [sflag:$0x1], $0x80, v4, vm0, $0xb8;
	[tilespmem:$0x1B000] =	vst v63  }
0xde: {  	_ =	swait.ge [sflag:s9], $0x800  }
0xdf: {  	[sflag:s9] =	ssyncset.done $0x0  }
0xe0: {  	[sflag:s9] =	ssyncadd.s32 $0xFFFFF800  }
0xe1: {  	_ =	swait.ge [sflag:s9], $0x800  }
0xe2: {  	[sflag:s9] =	ssyncset.done $0x0  }
0xe3: {  	[sflag:s9] =	ssyncadd.s32 $0xFFFFF800  }
0xe4: {  	_ =	swait.ge [sflag:s9], $0x800  }
0xe5: {  	[sflag:s9] =	ssyncset.done $0x0  }
0xe6: {  	[sflag:s9] =	ssyncadd.s32 $0xFFFFF800  }
0xe7: {  	_ =	swait.ge [sflag:s9], $0x800  }
0xe8: {  	[sflag:s9] =	ssyncset.done $0x0  }
0xe9: {  	s11 =	sadd.s32 $0x1, s11;
	[sflag:s9] =	ssyncadd.s32 $0xFFFFF800  }
0xea: {  	p0 =	sne.s32 s11, $0x5;
	_ =	swait.ge [sflag:s9], $0x800  }
.Ltmp3:
0xeb: {  	[sflag:s9] =	ssyncset.done $0x0;
	(pc) =	sbr.rel @p0 .LBB2_6-.Ltmp3, $4  }
0xec: {  	[sflag:s9] =	ssyncadd.s32 $0xFFFFF800  }
0xed: {  	_ =	swait.ge [sflag:s9], $0x800  }
0xee: {  	[sflag:s9] =	ssyncset.done $0x0  }
0xef: {  	[sflag:s9] =	ssyncadd.s32 $0xFFFFF800  }
0xf0: {  	s11 =	stileid.u32  }
0xf1: {  	[bflag:$0x0] =	sbarrier.arrive $0xFFFF;
	s11 =	sshll.u32 s11, $0x6  }
0xf2: {  	s12 =	rddreg [dreg:$0x3];
	s11 =	sor.u32 $0x1C02, s11  }
0xf3: {  	[hbm:s12], [sflag:s11] =	dma.local [spmem:s24], $0x1400  }
0xf4: {  	_ =	swait.ge [sflag:s0], $0x1400  }
0xf5: {  	s10 =	sadd.s32 $0x1, s10;
	s15 =	rddreg [dreg:$0x4]  }
0xf6: {  	p0 =	sne.s32 s10, s15  }
.Ltmp4:
0xf7: {  	_ = 	snop;
	(pc) =	sbr.rel @p0 .LBB2_1-.Ltmp4, $3  }
0xf8: {  	_ =	sdelay $0x1  }
0xf9: {  	[sflag:s0] =	ssyncset.done $0x0  }
0xfa: {  	[sflag:s0] =	ssyncadd.s32 $0xFFFFEC00  }
0xfb: {  	_ =	sfence.sel $0x180000  }
0xfc: {  	[bflag:$0x0] =	sbarrier.arrive $0xFFFF  }
0xfd: {  	_ =	strace $0x90000047  }
0xfe: {  	s0 =	stileid.u32;
	[bflag:$0x2] =	sbarrier.arrive $0xFFFF  }
0xff: {  	p0 =	sne.s32 s0, $0x0;
	s0 =	rddreg [dreg:$0x2]  }
0x100: {  	s0 =	sadd.s32 @!p0 $0x100000, s0  }
0x101: {  	[sflag:s0] =	ssyncadd.tile.s32 @!p0 $0x1;
	_ =	shalt  }
.Lfunc_end2:
_tile_overlayer_lowered:
.L_overlay_start_2:
0x102: {  	(tag) =	ssettag $0x2  }
0x103: {  	s0 =	rddreg [dreg:$0x0];
	s2 =	stileid.u32  }
0x104: {  	s1 =	rddreg [dreg:$0x1];
	p0 =	sne.s32 s2, $0x0  }
0x105: {  	s3 =	rddreg [dreg:$0x2];
	[bflag:$0x3] =	sbarrier.arrive $0xFFFF;
	s2 =	simm.s32 @!p0 $0x1C02  }
0x106: {  	[timem:s3], [sflag:s2] =	dma.local @!p0 [hbm:s0], s1  }
0x107: {  	s0 =	simm.s32 @!p0 $0x2  }
0x108: {  	_ =	swait.ge @!p0 [sflag:s0], s1  }
0x109: {  	s1 =	ssub.s32 @!p0 $0x0, s1;
	[sflag:s0] =	ssyncset.done @!p0 $0x0  }
0x10a: {  	[sflag:s0] =	ssyncadd.s32 @!p0 s1  }
0x10b: {  	[bflag:$0x3] =	sbarrier.arrive $0xFFFF  }
0x10c: {  	_ =	shalt  }

// kernel: kernel.9.cloned.1.call-start
scs
__scs_entry_jumppad:
0x0: {  	(pc) =	sbr.rel $0x88, $3  }
0x1: {  	(tag) =	ssettag $0x0;
	lr =	simm.s32 $0x1  }
0x2: {  	[smem:$0x3F97] =	sst lr;
	_ =	strace $0xD0000000  }
0x3: {  	_ = 	snop  }
0x4: {  	_ = 	snop  }
0x5: {  	_ = 	snop  }
0x6: {  	_ = 	snop  }
0x7: {  	_ = 	snop  }
__scs_overlays_trampoline_lowered:
0x8: {  	[smem:$0x3FA6] =	sst s0  }
0x9: {  	[smem:$0x3FA7] =	sst s1  }
0xa: {  	[smem:$0x3FA8] =	sst s2  }
0xb: {  	[smem:$0x3FA9] =	sst s3  }
0xc: {  	[smem:$0x3FAA] =	sst s4  }
0xd: {  	[smem:$0x3FAB] =	sst s5  }
0xe: {  	[smem:$0x3FAC] =	sst s6  }
0xf: {  	[smem:$0x3FAD] =	sst s7  }
0x10: {  	[smem:$0x3FAE] =	sst s8  }
0x11: {  	[smem:$0x3FAF] =	sst s9;
	s0 =	simm.s32 @!p0 $0x0  }
0x12: {  	s1 =	sld [smem:$0x3F95];
	s0 =	simm.s32 @p0 $0x1  }
0x13: {  	[smem:$0x3FB0] =	sst s0;
	s0 =	simm.s32 @!p1 $0x0  }
0x14: {  	s2 =	sld [smem:$0x3F94];
	s0 =	simm.s32 @p1 $0x1  }
0x15: {  	[smem:$0x3FB1] =	sst s0;
	s0 =	simm.s32 @!p2 $0x0  }
0x16: {  	s3 =	sld [smem:$0x3FDB];
	s0 =	simm.s32 @p2 $0x1  }
0x17: {  	s4 =	simm.s32 $0x1BF5;
	[smem:$0x3FB3] =	sst s0  }
0x18: {  	s0 =	sld [smem:$0x3F96];
	_ =	swait.ge [sflag:s4], $0x0  }
0x19: {  	s7 =	sld [smem:$0x3F97]  }
0x1a: {  	s8 =	sadd.s32 $0xFFFFE003, lr  }
0x1b: {  	s9 =	sadd.s32 $0xFFFFFEF7, lr;
	s5 =	simm.s32 $0xFFFFFFFF;
	p2 =	slt.u32 s8, $0xFFFFF086  }
0x1c: {  	p1 =	slt.u32 s9, $0xF7A;
	s5 =	simm.s32 @!p2 $0x0  }
0x1d: {  	s5 =	simm.s32 @p1 $0x1;
	p0 =	seq.s32 s7, s2  }
0x1e: {  	s7 =	smul.u32 @!p0 $0xF7A, s2;
	p2 =	seq.s32 @!p0 s5, $0x0  }
0x1f: {  	s9 =	smul.u32 $0xF7A, s1;
	s8 =	simm.s32 @!p0 $0x1BF5;
	p2 =	por !p2, p0  }
0x20: {  	[sflag:s8] =	ssyncset.s32 @!p0 $0xFFFFF086;
	s6 =	sadd.s32 @!p0 s3, s7;
	s7 =	simm.s32 @!p0 $0x108  }
0x21: {  	s3 =	sadd.s32 s3, s9;
	s6 =	sadd.s32 @!p0 $0x88, s6;
	s7 =	simm.s32 @p2 $0x1082  }
0x22: {  	[simem:s7], [sflag:s8] =	dma.local @!p0 [hbm:s6], $0xF7A  }
0x23: {  	s9 =	sor.u32 $0xD0000000, s2;
	s6 =	simm.s32 $0x108;
	_ =	swait.ge @!p0 [sflag:s8], $0x0  }
0x24: {  	s3 =	sadd.s32 $0x88, s3;
	s6 =	simm.s32 @!p1 $0x1082;
	[sflag:s4] =	ssyncset.s32 $0xFFFFF086  }
0x25: {  	[simem:s6], [sflag:s4] =	dma.local [hbm:s3], $0xF7A  }
0x26: {  	[smem:$0x3F97] =	sst s1;
	(tag) =	ssettag s2;
	_ =	strace s9  }
0x27: {  	s1 =	sld [smem:$0x3FA7]  }
0x28: {  	s2 =	sld [smem:$0x3FA8]  }
0x29: {  	s4 =	sld [smem:$0x3FAA]  }
0x2a: {  	p0 =	seq.s32 s5, $0x0;
	s5 =	sld [smem:$0x3FAB]  }
0x2b: {  	s6 =	sld [smem:$0x3FAC]  }
0x2c: {  	s7 =	sld [smem:$0x3FAD]  }
0x2d: {  	s3 =	simm.s32 $0x108;
	s8 =	sld [smem:$0x3FAE]  }
0x2e: {  	s3 =	simm.s32 @!p0 $0x1082;
	s9 =	sld [smem:$0x3FAF]  }
0x2f: {  	lr =	sadd.s32 s0, s3;
	s0 =	sld [smem:$0x3FA6]  }
0x30: {  	s3 =	sld [smem:$0x3FA9]  }
0x31: {  	[smem:$0x3FB2] =	sst s10  }
0x32: {  	s10 =	sld [smem:$0x3FB0];
	_ =	sdelay $0x3  }
0x33: {  	p0 =	seq.s32 s10, $0x1;
	s10 =	sld [smem:$0x3FB2];
	_ =	sdelay $0x3  }
0x34: {  	[smem:$0x3FB2] =	sst s10  }
0x35: {  	s10 =	sld [smem:$0x3FB1];
	_ =	sdelay $0x3  }
0x36: {  	p1 =	seq.s32 s10, $0x1;
	s10 =	sld [smem:$0x3FB2];
	_ =	sdelay $0x3  }
0x37: {  	[smem:$0x3FB2] =	sst s10  }
0x38: {  	s10 =	sld [smem:$0x3FB3]  }
0x39: {  	_ = 	snop;
	(pc) =	sbr.ind lr, $3  }
0x3a: {  	_ = 	snop  }
0x3b: {  	_ = 	snop  }
0x3c: {  	p2 =	seq.s32 s10, $0x1;
	s10 =	sld [smem:$0x3FB2]  }
0x3d: {  	_ =	shalt  }
0x3e: {  	_ =	shalt  }
0x3f: {  	_ =	shalt  }
0x40: {  	_ =	shalt  }
0x41: {  	_ =	shalt  }
0x42: {  	_ =	shalt  }
0x43: {  	_ =	shalt  }
0x44: {  	_ =	shalt  }
0x45: {  	_ =	shalt  }
0x46: {  	_ =	shalt  }
0x47: {  	_ =	shalt  }
0x48: {  	_ =	shalt  }
0x49: {  	_ =	shalt  }
0x4a: {  	_ =	shalt  }
0x4b: {  	_ =	shalt  }
0x4c: {  	_ =	shalt  }
0x4d: {  	_ =	shalt  }
0x4e: {  	_ =	shalt  }
0x4f: {  	_ =	shalt  }
0x50: {  	_ =	shalt  }
0x51: {  	_ =	shalt  }
0x52: {  	_ =	shalt  }
0x53: {  	_ =	shalt  }
0x54: {  	_ =	shalt  }
0x55: {  	_ =	shalt  }
0x56: {  	_ =	shalt  }
0x57: {  	_ =	shalt  }
0x58: {  	_ =	shalt  }
0x59: {  	_ =	shalt  }
0x5a: {  	_ =	shalt  }
0x5b: {  	_ =	shalt  }
0x5c: {  	_ =	shalt  }
0x5d: {  	_ =	shalt  }
0x5e: {  	_ =	shalt  }
0x5f: {  	_ =	shalt  }
0x60: {  	_ =	shalt  }
0x61: {  	_ =	shalt  }
0x62: {  	_ =	shalt  }
0x63: {  	_ =	shalt  }
0x64: {  	_ =	shalt  }
0x65: {  	_ =	shalt  }
0x66: {  	_ =	shalt  }
0x67: {  	_ =	shalt  }
0x68: {  	_ =	shalt  }
0x69: {  	_ =	shalt  }
0x6a: {  	_ =	shalt  }
0x6b: {  	_ =	shalt  }
0x6c: {  	_ =	shalt  }
0x6d: {  	_ =	shalt  }
0x6e: {  	_ =	shalt  }
0x6f: {  	_ =	shalt  }
0x70: {  	_ =	shalt  }
0x71: {  	_ =	shalt  }
0x72: {  	_ =	shalt  }
0x73: {  	_ =	shalt  }
0x74: {  	_ =	shalt  }
0x75: {  	_ =	shalt  }
0x76: {  	_ =	shalt  }
0x77: {  	_ =	shalt  }
0x78: {  	_ =	shalt  }
0x79: {  	_ =	shalt  }
0x7a: {  	_ =	shalt  }
0x7b: {  	_ =	shalt  }
0x7c: {  	_ =	shalt  }
0x7d: {  	_ =	shalt  }
0x7e: {  	_ =	shalt  }
0x7f: {  	_ =	shalt  }
0x80: {  	_ =	shalt  }
0x81: {  	_ =	shalt  }
0x82: {  	_ =	shalt  }
0x83: {  	_ =	shalt  }
0x84: {  	_ =	shalt  }
0x85: {  	_ =	shalt  }
0x86: {  	_ =	shalt  }
0x87: {  	_ =	shalt  }
.Lfunc_end0:
.L_simem_size_0:
called_computation.1_lowered:
.L_overlay_start_0:
0x88: {  	s2 =	sld [smem:$0x3FD9]  }
0x89: {  	s3 =	sld [smem:$0x3FFE];
	_ =	sdelay $0x1  }
0x8a: {  	s1 =	srdreg.scid  }
0x8b: {  	s0 =	sand.u32 $0x1, s1  }
0x8c: {  	s16 =	sshll.u32 s0, $0xA;
	s2 =	sadd.s32 s3, s2  }
0x8d: {  	s2 =	sadd.s32 s2, s16  }
0x8e: {  	[smem:$0x3FBE] =	sst s2  }
0x8f: {  	_ = 	snop  }
0x90: {  	(tm) =	ssettm $0x1  }
0x91: {  	s17 =	sld [smem:$0x3FFB];
	_ =	sdelay $0x3  }
0x92: {  	_ =	strace s17  }
0x93: {  	s2 =	sld [smem:$0x3FFC];
	_ =	sdelay $0x3  }
0x94: {  	_ =	strace s2  }
0x95: {  	s2 =	sld [smem:$0x3FFD];
	_ =	sdelay $0x3  }
0x96: {  	_ =	strace s2  }
0x97: {  	_ =	strace $0x8FFFFFFF  }
0x98: {  	s18 =	sld [smem:$0x3FDB];
	_ =	sdelay $0x1  }
0x99: {  	s19 =	simm.s32 $_scs_section_size  }
0x9a: {  	s4 =	simm.s32 $_size__tile_overlayer_lowered;
	s5 =	simm.s32 $_tile_overlayer_lowered  }
0x9b: {  	s22 =	simm.s32 $0x1BFF;
	s21 =	sshll.u32 s5, $0x1;
	s2 =	sadd.s32 s19, s18  }
0x9c: {  	s6 =	simm.s32 $0x0;
	s20 =	sshll.u32 s4, $0x1;
	s4 =	sadd.s32 s21, s2  }
0x9d: {  	[timem:s6], [sflag:s22] =	dma.local [hbm:s4], s20  }
0x9e: {  	_ =	swait.ge [sflag:s22], s20  }
0x9f: {  	s3 =	ssub.s32 $0x0, s20;
	[sflag:s22] =	ssyncset.done $0x0  }
0xa0: {  	[sflag:s22] =	ssyncadd.s32 s3;
	_ =	sdelay $0x1  }
0xa1: {  	s23 =	simm.s32 $0x1B8B  }
0xa2: {  	_ =	swait.ge [sflag:s23], $0x1  }
0xa3: {  	[sflag:s23] =	ssyncset.done $0x0  }
0xa4: {  	s25 =	simm.s32 $0x1B8E;
	s24 =	sld [smem:$0x3FFE];
	[sflag:s23] =	ssyncadd.s32 $0xFFFFFFFF  }
0xa5: {  	s26 =	simm.s32 $execute0_lowered;
	[smem:$0x3FD2] =	sst s25  }
0xa6: {  	s4 =	sshll.u32 s26, $0x1;
	_ =	strace $0x80000049;
	[dreg:$0x1] =	wrdreg $0xFFFFFFFF  }
0xa7: {  	s28 =	simm.s32 $_size_execute0_lowered;
	s2 =	sadd.s32 s2, s4;
	[dreg:$0x0] =	wrdreg $0x0  }
0xa8: {  	s4 =	sshll.u32 s28, $0x1;
	[dreg:$0x2] =	wrdreg s2  }
0xa9: {  	[dreg:$0x3] =	wrdreg s4  }
0xaa: {  	[dreg:$0x4] =	wrdreg $0xC0  }
0xab: {  	_ =	task [dreg:s6], $0x5FFFF  }
0xac: {  	[dreg:$0x1] =	wrdreg $0xFFFFFFFF  }
0xad: {  	[dreg:$0x0] =	wrdreg $0x60  }
0xae: {  	[dreg:$0x2] =	wrdreg s24  }
0xaf: {  	[dreg:$0x3] =	wrdreg $0x110000  }
0xb0: {  	[dreg:$0x4] =	wrdreg $0x9  }
0xb1: {  	_ =	task.clear_ibuf [dreg:s6], $0x5FFFF;
	_ =	strace $0x90000049  }
0xb2: {  	s29 =	simm.s32 $0x9;
	_ =	strace $0x8000004B  }
0xb3: {  	_ =	swait.ge [sflag:s29], $0x1  }
0xb4: {  	[sflag:s29] =	ssyncadd.s32 $0xFFFFFFFF  }
0xb5: {  	_ =	strace $0x9000004B  }
0xb6: {  	_ =	sfence  }
0xb7: {  	s30 =	sld [smem:$0x0];
	_ =	sdelay $0x2  }
0xb8: {  	s31 =	sshll.u32 s1, $0xD;
	s1 =	sshrl.u32 s1, $0x2  }
0xb9: {  	s3 =	sand.u32 $0x4000, s31;
	s1 =	sadd.s32 s1, s30  }
0xba: {  	s0 =	sor.u32 s3, s0;
	s1 =	sshll.u32 s1, $0x11  }
0xbb: {  	s0 =	sor.u32 s1, s0  }
0xbc: {  	s0 =	sadd.s32 $0x8F2B, s0  }
0xbd: {  	[sflag:s0] =	ssyncadd.remote.s32 $0x1  }
0xbe: {  	_ =	sfence.sel $0xFFFF  }
0xbf: {  	[dreg:$0x0] =	wrdreg $0xFFFFFFFF;
	(pc) =	sbr.abs _section_cstart, $3  }
0xc0: {  	[dreg:$0x1] =	wrdreg $0xFFFFFFFF  }
0xc1: {  	_ =	task.clear_ibuf [dreg:s6], $0x2FFFF;
	_ =	strace $0x9FFFFFFF  }
0xc2: {  	(tm) =	ssettm $0x7FFFFFFF  }
0xc3: {  	_ =	shalt  }
tec
execute0_lowered:
.L_overlay_start_1:
0x0: {  	(tag) =	ssettag $0x1  }
0x1: {  	s0 =	rddreg [dreg:$0x0]  }
0x2: {  	s1 =	rddreg [dreg:$0x1]  }
0x3: {  	s2 =	srdreg.scid;
	s3 =	simm.s32 $0x0;
	s10 =	stileid.u32  }
0x4: {  	s11 =	simm.s32 $0x1;
	s13 =	simm.s32 $0x2;
	s14 =	simm.s32 $0x0  }
0x5: {  	s2 =	sand.u32 $0x1, s2;
	[smem:$0x7FF] =	sst s3;
	s7 =	smul.u32 $0xA000, s10  }
0x6: {  	s4 =	sadd.s32 $0x1E00, s0;
	s5 =	sadd.s32 $0x51E00, s0;
	s16 =	sshll.u32 s10, $0xB  }
0x7: {  	s6 =	smul.u32 $0xA0000, s2;
	_ =	strace $0x8000004A;
	s8 =	ssub.s32 $0x2, s2  }
0x8: {  	s12 =	smul.u32 $0x1388, s2;
	s2 =	simm.s32 $0x4;
	s9 =	sshrl.u32 s8, $0x1  }
0x9: {  	s7 =	sadd.s32 s7, s6;
	s6 =	sadd.s32 $0xA1E00, s0;
	s9 =	ssub.s32 s8, s9  }
0xa: {  	s8 =	sadd.s32 s16, s1;
	v0 =	vmov s12;
	s12 =	simm.s32 $0x3;
	s18 =	smax.u32 s9, $0x1  }
0xb: {  	s7 =	sshrl.u32 s7, $0x3;
	s19 =	sadd.s32 $0x8000, s8;
	[dreg:$0x4] =	wrdreg s18  }
0xc: {  	s20 =	sadd.s32 $0x10000, s8;
	s21 =	sadd.s32 $0x18000, s8;
	[dreg:$0x5] =	wrdreg s19  }
0xd: {  	s22 =	sadd.s32 $0x20000, s8;
	s23 =	sadd.s32 $0x28000, s8;
	[dreg:$0x6] =	wrdreg s20  }
0xe: {  	s24 =	sadd.s32 $0x30000, s8;
	s25 =	sadd.s32 $0x38000, s8;
	[dreg:$0x7] =	wrdreg s21  }
0xf: {  	s26 =	sadd.s32 $0x40000, s8;
	s28 =	sadd.s32 $0x80000, s8;
	[dreg:$0x8] =	wrdreg s22  }
0x10: {  	s29 =	sadd.s32 $0x88000, s8;
	s30 =	sadd.s32 $0x90000, s8;
	[dreg:$0x9] =	wrdreg s23  }
0x11: {  	s31 =	sadd.s32 $0x98000, s8;
	s9 =	simm.s32 $0x8000;
	[dreg:$0xa] =	wrdreg s24  }
0x12: {  	s0 =	sadd.s32 s7, s0;
	s7 =	smul.u32 $0x28000, s10;
	[dreg:$0xb] =	wrdreg s25  }
0x13: {  	[dreg:$0xc] =	wrdreg s26;
	s19 =	sadd.s32 $0x48000, s8;
	s20 =	sadd.s32 $0x50000, s8  }
0x14: {  	s21 =	sadd.s32 $0x58000, s8;
	s22 =	sadd.s32 $0x60000, s8;
	s23 =	sadd.s32 $0x68000, s8  }
0x15: {  	s25 =	sadd.s32 $0x70000, s8;
	s0 =	sadd.s32 $0xC9000, s0;
	s17 =	sshrl.u32 s7, $0x2  }
0x16: {  	s26 =	sadd.s32 $0x78000, s8;
	[dreg:$0x3] =	wrdreg s0;
	s0 =	sadd.s32 s17, s1  }
0x17: {  	v1 =	vimm.f32 $0.0e+00;
	vm0 =	vmmov $0xffff;
	s10 =	simm.s32 $0x10800;
	s24 =	sshrl.u32 s0, $0x3;
	s0 =	simm.s32 $0x10000  }
.LBB2_1:
0x18: {  	s15 =	simm.s32 $0x0;
	s16 =	simm.s32 $0x200  }
.LBB2_2:
0x19: {  	p0 =	sne.s32 s16, $0x1E00;
	[tilespmem:s15+$0x10070] =	vst v1  }
0x1a: {  	[tilespmem:s15+$0x10000] =	vst v1  }
0x1b: {  	[tilespmem:s15+$0x10010] =	vst v1  }
.Ltmp0:
0x1c: {  	[tilespmem:s15+$0x10020] =	vst v1;
	(pc) =	sbr.rel @p0 .LBB2_2-.Ltmp0, $4  }
0x1d: {  	[tilespmem:s15+$0x10030] =	vst v1  }
0x1e: {  	[tilespmem:s15+$0x10040] =	vst v1  }
0x1f: {  	[tilespmem:s15+$0x10050] =	vst v1  }
0x20: {  	[tilespmem:s15+$0x10060] =	vst v1;
	s15 =	sshra.s32 s16, $0x2;
	s16 =	sadd.s32 $0x200, s16  }
0x21: {  	[tilespmem:s15+$0x10070] =	vst v1  }
0x22: {  	[tilespmem:s15+$0x10000] =	vst v1  }
0x23: {  	[tilespmem:s15+$0x10010] =	vst v1  }
0x24: {  	[tilespmem:s15+$0x10020] =	vst v1  }
0x25: {  	[tilespmem:s15+$0x10030] =	vst v1  }
0x26: {  	[tilespmem:s15+$0x10040] =	vst v1  }
0x27: {  	[tilespmem:s15+$0x10050] =	vst v1  }
0x28: {  	[tilespmem:s15+$0x10060] =	vst v1  }
0x29: {  	[spmem:s8] =	stream.linear.scatter [tilespmem:s0], [sflag:$0x4], $0x800, $0x38;
	[tilespmem:$0x1B000] =	vst v63  }
0x2a: {  	_ =	swait.ge [sflag:s2], $0x800  }
0x2b: {  	[sflag:s2] =	ssyncset.done $0x0  }
0x2c: {  	s17 =	rddreg [dreg:$0x5];
	[sflag:s2] =	ssyncadd.s32 $0xFFFFF800  }
0x2d: {  	[spmem:s17] =	stream.linear.scatter [tilespmem:s0], [sflag:$0x4], $0x800, $0x38;
	[tilespmem:$0x1B000] =	vst v63  }
0x2e: {  	_ =	swait.ge [sflag:s2], $0x800  }
0x2f: {  	[sflag:s2] =	ssyncset.done $0x0  }
0x30: {  	s18 =	rddreg [dreg:$0x6];
	[sflag:s2] =	ssyncadd.s32 $0xFFFFF800  }
0x31: {  	[spmem:s18] =	stream.linear.scatter [tilespmem:s0], [sflag:$0x4], $0x800, $0x38;
	[tilespmem:$0x1B000] =	vst v63  }
0x32: {  	_ =	swait.ge [sflag:s2], $0x800  }
0x33: {  	[sflag:s2] =	ssyncset.done $0x0  }
0x34: {  	s16 =	rddreg [dreg:$0x7];
	[sflag:s2] =	ssyncadd.s32 $0xFFFFF800  }
0x35: {  	[spmem:s16] =	stream.linear.scatter [tilespmem:s0], [sflag:$0x4], $0x800, $0x38;
	[tilespmem:$0x1B000] =	vst v63  }
0x36: {  	_ =	swait.ge [sflag:s2], $0x800  }
0x37: {  	[sflag:s2] =	ssyncset.done $0x0  }
0x38: {  	s17 =	rddreg [dreg:$0x8];
	[sflag:s2] =	ssyncadd.s32 $0xFFFFF800  }
0x39: {  	[spmem:s17] =	stream.linear.scatter [tilespmem:s0], [sflag:$0x4], $0x800, $0x38;
	[tilespmem:$0x1B000] =	vst v63  }
0x3a: {  	_ =	swait.ge [sflag:s2], $0x800  }
0x3b: {  	[sflag:s2] =	ssyncset.done $0x0  }
0x3c: {  	s18 =	rddreg [dreg:$0x9];
	[sflag:s2] =	ssyncadd.s32 $0xFFFFF800  }
0x3d: {  	[spmem:s18] =	stream.linear.scatter [tilespmem:s0], [sflag:$0x4], $0x800, $0x38;
	[tilespmem:$0x1B000] =	vst v63  }
0x3e: {  	_ =	swait.ge [sflag:s2], $0x800  }
0x3f: {  	[sflag:s2] =	ssyncset.done $0x0  }
0x40: {  	s16 =	rddreg [dreg:$0xa];
	[sflag:s2] =	ssyncadd.s32 $0xFFFFF800  }
0x41: {  	[spmem:s16] =	stream.linear.scatter [tilespmem:s0], [sflag:$0x4], $0x800, $0x38;
	[tilespmem:$0x1B000] =	vst v63  }
0x42: {  	_ =	swait.ge [sflag:s2], $0x800  }
0x43: {  	[sflag:s2] =	ssyncset.done $0x0  }
0x44: {  	s17 =	rddreg [dreg:$0xb];
	[sflag:s2] =	ssyncadd.s32 $0xFFFFF800  }
0x45: {  	[spmem:s17] =	stream.linear.scatter [tilespmem:s0], [sflag:$0x4], $0x800, $0x38;
	[tilespmem:$0x1B000] =	vst v63  }
0x46: {  	_ =	swait.ge [sflag:s2], $0x800  }
0x47: {  	[sflag:s2] =	ssyncset.done $0x0  }
0x48: {  	s18 =	rddreg [dreg:$0xc];
	[sflag:s2] =	ssyncadd.s32 $0xFFFFF800  }
0x49: {  	[spmem:s18] =	stream.linear.scatter [tilespmem:s0], [sflag:$0x4], $0x800, $0x38;
	[tilespmem:$0x1B000] =	vst v63  }
0x4a: {  	_ =	swait.ge [sflag:s2], $0x800  }
0x4b: {  	[sflag:s2] =	ssyncset.done $0x0  }
0x4c: {  	[sflag:s2] =	ssyncadd.s32 $0xFFFFF800  }
0x4d: {  	[spmem:s19] =	stream.linear.scatter [tilespmem:s0], [sflag:$0x4], $0x800, $0x38;
	[tilespmem:$0x1B000] =	vst v63  }
0x4e: {  	_ =	swait.ge [sflag:s2], $0x800  }
0x4f: {  	[sflag:s2] =	ssyncset.done $0x0  }
0x50: {  	[sflag:s2] =	ssyncadd.s32 $0xFFFFF800  }
0x51: {  	[spmem:s20] =	stream.linear.scatter [tilespmem:s0], [sflag:$0x4], $0x800, $0x38;
	[tilespmem:$0x1B000] =	vst v63  }
0x52: {  	_ =	swait.ge [sflag:s2], $0x800  }
0x53: {  	[sflag:s2] =	ssyncset.done $0x0  }
0x54: {  	[sflag:s2] =	ssyncadd.s32 $0xFFFFF800  }
0x55: {  	[spmem:s21] =	stream.linear.scatter [tilespmem:s0], [sflag:$0x4], $0x800, $0x38;
	[tilespmem:$0x1B000] =	vst v63  }
0x56: {  	_ =	swait.ge [sflag:s2], $0x800  }
0x57: {  	[sflag:s2] =	ssyncset.done $0x0  }
0x58: {  	[sflag:s2] =	ssyncadd.s32 $0xFFFFF800  }
0x59: {  	[spmem:s22] =	stream.linear.scatter [tilespmem:s0], [sflag:$0x4], $0x800, $0x38;
	[tilespmem:$0x1B000] =	vst v63  }
0x5a: {  	_ =	swait.ge [sflag:s2], $0x800  }
0x5b: {  	[sflag:s2] =	ssyncset.done $0x0  }
0x5c: {  	[sflag:s2] =	ssyncadd.s32 $0xFFFFF800  }
0x5d: {  	[spmem:s23] =	stream.linear.scatter [tilespmem:s0], [sflag:$0x4], $0x800, $0x38;
	[tilespmem:$0x1B000] =	vst v63  }
0x5e: {  	_ =	swait.ge [sflag:s2], $0x800  }
0x5f: {  	[sflag:s2] =	ssyncset.done $0x0  }
0x60: {  	[sflag:s2] =	ssyncadd.s32 $0xFFFFF800  }
0x61: {  	[spmem:s25] =	stream.linear.scatter [tilespmem:s0], [sflag:$0x4], $0x800, $0x38;
	[tilespmem:$0x1B000] =	vst v63  }
0x62: {  	_ =	swait.ge [sflag:s2], $0x800  }
0x63: {  	[sflag:s2] =	ssyncset.done $0x0  }
0x64: {  	[sflag:s2] =	ssyncadd.s32 $0xFFFFF800  }
0x65: {  	[spmem:s26] =	stream.linear.scatter [tilespmem:s0], [sflag:$0x4], $0x800, $0x38;
	[tilespmem:$0x1B000] =	vst v63  }
0x66: {  	_ =	swait.ge [sflag:s2], $0x800  }
0x67: {  	[sflag:s2] =	ssyncset.done $0x0  }
0x68: {  	[sflag:s2] =	ssyncadd.s32 $0xFFFFF800  }
0x69: {  	[spmem:s28] =	stream.linear.scatter [tilespmem:s0], [sflag:$0x4], $0x800, $0x38;
	[tilespmem:$0x1B000] =	vst v63  }
0x6a: {  	_ =	swait.ge [sflag:s2], $0x800  }
0x6b: {  	[sflag:s2] =	ssyncset.done $0x0  }
0x6c: {  	[sflag:s2] =	ssyncadd.s32 $0xFFFFF800  }
0x6d: {  	[spmem:s29] =	stream.linear.scatter [tilespmem:s0], [sflag:$0x4], $0x800, $0x38;
	[tilespmem:$0x1B000] =	vst v63  }
0x6e: {  	_ =	swait.ge [sflag:s2], $0x800  }
0x6f: {  	[sflag:s2] =	ssyncset.done $0x0  }
0x70: {  	[sflag:s2] =	ssyncadd.s32 $0xFFFFF800  }
0x71: {  	[spmem:s30] =	stream.linear.scatter [tilespmem:s0], [sflag:$0x4], $0x800, $0x38;
	[tilespmem:$0x1B000] =	vst v63  }
0x72: {  	_ =	swait.ge [sflag:s2], $0x800  }
0x73: {  	[sflag:s2] =	ssyncset.done $0x0  }
0x74: {  	[sflag:s2] =	ssyncadd.s32 $0xFFFFF800  }
0x75: {  	[spmem:s31] =	stream.linear.scatter [tilespmem:s0], [sflag:$0x4], $0x800, $0x38;
	[tilespmem:$0x1B000] =	vst v63  }
0x76: {  	_ =	swait.ge [sflag:s2], $0x800  }
0x77: {  	[sflag:s2] =	ssyncset.done $0x0  }
0x78: {  	[sflag:s2] =	ssyncadd.s32 $0xFFFFF800  }
0x79: {  	s15 =	simm.s32 $0x0;
	s16 =	simm.s32 $0x0;
	[bflag:$0x0] =	sbarrier.arrive $0xFFFF  }
.LBB2_4:
0x7a: {  	s17 =	sshll.u32 s16, $0xF  }
0x7b: {  	s17 =	sadd.s32 s7, s17  }
0x7c: {  	s17 =	sshrl.u32 s17, $0x3  }
0x7d: {  	s18 =	sadd.s32 s4, s17  }
0x7e: {  	[tilespmem:s15], [sflag:$0x4] =	stream.linear.gather [hbm4b:s18+s15], $0x7D00, $0x38;
	[tilespmem:$0x1B000] =	vst v63  }
0x7f: {  	_ =	swait.ge [sflag:s2], $0x7D00  }
0x80: {  	[sflag:s2] =	ssyncset.done $0x0  }
0x81: {  	s17 =	sadd.s32 s5, s17;
	[sflag:s2] =	ssyncadd.s32 $0xFFFF8300  }
0x82: {  	[tilespmem:s9], [sflag:$0x4] =	stream.linear.gather [hbm4b:s17+s15], $0x7D00, $0x38;
	[tilespmem:$0x1B000] =	vst v63  }
0x83: {  	_ =	swait.ge [sflag:s2], $0x7D00  }
0x84: {  	[sflag:s2] =	ssyncset.done $0x0  }
0x85: {  	[sflag:s2] =	ssyncadd.s32 $0xFFFF8300  }
0x86: {  	v2 =	vld [tilespmem:$0x0];
	_ =	sdelay $0x7  }
0x87: {  	[tilespmem:s0], [sflag:$0x1] =	stream.indirect_vreg.gather [hbm4b:s6+s15], $0x80, v2, vm0, $0xb8;
	[tilespmem:$0x1B000] =	vst v63  }
0x88: {  	v2 =	vld [tilespmem:$0x80];
	_ =	sdelay $0x6  }
0x89: {  	s17 =	simm.s32 $0x0  }
0x8a: {  	[tilespmem:s10], [sflag:$0x2] =	stream.indirect_vreg.gather [hbm4b:s6+s15], $0x80, v2, vm0, $0xb8;
	[tilespmem:$0x1B000] =	vst v63  }
.LBB2_5:
0x8b: {  	_ =	swait.ge [sflag:s11], $0x800  }
0x8c: {  	[sflag:s11] =	ssyncset.done $0x0  }
0x8d: {  	s18 =	sshra.s32 s17, $0x2;
	[sflag:s11] =	ssyncadd.s32 $0xFFFFF800  }
0x8e: {  	v2 =	vld [tilespmem:s18+$0x8000];
	_ =	sdelay $0x4  }
0x8f: {  	v2 =	vsub.s32 v2, v0  }
0x90: {  	v2 =	vmin.u32 v2, $0x1388;
	_ =	sdelay $0x4  }
0x91: {  	[spmem:s1] =	stream.indirect_vreg.scatter.add.f32 [tilespmem:s0], [sflag:$0x3], $0x80, v2, vm0, $0xb8;
	[tilespmem:$0x1B000] =	vst v63  }
0x92: {  	_ =	swait.ge [sflag:s12], $0x800  }
0x93: {  	[sflag:s12] =	ssyncset.done $0x0  }
0x94: {  	[sflag:s12] =	ssyncadd.s32 $0xFFFFF800  }
0x95: {  	v2 =	vld [tilespmem:s18+$0x100];
	_ =	sdelay $0x7  }
0x96: {  	[tilespmem:s0], [sflag:$0x1] =	stream.indirect_vreg.gather [hbm4b:s6+s3], $0x80, v2, vm0, $0xb8;
	[tilespmem:$0x1B000] =	vst v63  }
0x97: {  	_ =	swait.ge [sflag:s13], $0x800  }
0x98: {  	[sflag:s13] =	ssyncset.done $0x0  }
0x99: {  	[sflag:s13] =	ssyncadd.s32 $0xFFFFF800  }
0x9a: {  	v2 =	vld [tilespmem:s18+$0x8080];
	_ =	sdelay $0x4  }
0x9b: {  	v2 =	vsub.s32 v2, v0  }
0x9c: {  	v2 =	vmin.u32 v2, $0x1388;
	_ =	sdelay $0x4  }
0x9d: {  	[spmem:s1] =	stream.indirect_vreg.scatter.add.f32 [tilespmem:s10], [sflag:$0x3], $0x80, v2, vm0, $0xb8;
	[tilespmem:$0x1B000] =	vst v63  }
0x9e: {  	_ =	swait.ge [sflag:s12], $0x800  }
0x9f: {  	[sflag:s12] =	ssyncset.done $0x0  }
0xa0: {  	[sflag:s12] =	ssyncadd.s32 $0xFFFFF800  }
0xa1: {  	v2 =	vld [tilespmem:s18+$0x180];
	_ =	sdelay $0x2  }
0xa2: {  	p0 =	sne.s32 s17, $0x1EC00  }
.Ltmp1:
0xa3: {  	_ = 	snop;
	(pc) =	sbr.rel @p0 .LBB2_5-.Ltmp1, $3  }
0xa4: {  	_ =	sdelay $0x1  }
0xa5: {  	s17 =	sadd.s32 $0x400, s17  }
0xa6: {  	[tilespmem:s10], [sflag:$0x2] =	stream.indirect_vreg.gather [hbm4b:s6+s3], $0x80, v2, vm0, $0xb8;
	[tilespmem:$0x1B000] =	vst v63  }
0xa7: {  	_ =	swait.ge [sflag:s11], $0x800  }
0xa8: {  	[sflag:s11] =	ssyncset.done $0x0  }
0xa9: {  	[sflag:s11] =	ssyncadd.s32 $0xFFFFF800  }
0xaa: {  	v2 =	vld [tilespmem:$0xFC00];
	_ =	sdelay $0x4  }
0xab: {  	v2 =	vsub.s32 v2, v0  }
0xac: {  	v2 =	vmin.u32 v2, $0x1388;
	_ =	sdelay $0x4  }
0xad: {  	[spmem:s1] =	stream.indirect_vreg.scatter.add.f32 [tilespmem:s0], [sflag:$0x3], $0x80, v2, vm0, $0xb8;
	[tilespmem:$0x1B000] =	vst v63  }
0xae: {  	_ =	swait.ge [sflag:s12], $0x800  }
0xaf: {  	[sflag:s12] =	ssyncset.done $0x0  }
0xb0: {  	[sflag:s12] =	ssyncadd.s32 $0xFFFFF800  }
0xb1: {  	_ =	swait.ge [sflag:s13], $0x800  }
0xb2: {  	[sflag:s13] =	ssyncset.done $0x0  }
0xb3: {  	[sflag:s13] =	ssyncadd.s32 $0xFFFFF800  }
0xb4: {  	v2 =	vld [tilespmem:$0xFC80];
	_ =	sdelay $0x4  }
0xb5: {  	v2 =	vsub.s32 v2, v0  }
0xb6: {  	v2 =	vmin.u32 v2, $0x1388;
	_ =	sdelay $0x1  }
0xb7: {  	s16 =	sadd.s32 $0x1, s16  }
0xb8: {  	p0 =	sne.s32 s16, $0x5  }
.Ltmp2:
0xb9: {  	_ = 	snop;
	(pc) =	sbr.rel @p0 .LBB2_4-.Ltmp2, $4  }
0xba: {  	[spmem:s1] =	stream.indirect_vreg.scatter.add.f32 [tilespmem:s10], [sflag:$0x3], $0x80, v2, vm0, $0xb8;
	[tilespmem:$0x1B000] =	vst v63  }
0xbb: {  	_ =	swait.ge [sflag:s12], $0x800  }
0xbc: {  	[sflag:s12] =	ssyncset.done $0x0  }
0xbd: {  	[sflag:s12] =	ssyncadd.s32 $0xFFFFF800  }
0xbe: {  	s15 =	stileid.u32  }
0xbf: {  	[bflag:$0x0] =	sbarrier.arrive $0xFFFF;
	s15 =	sshll.u32 s15, $0x6  }
0xc0: {  	s16 =	rddreg [dreg:$0x3];
	s15 =	sor.u32 $0x1C04, s15  }
0xc1: {  	[hbm:s16], [sflag:s15] =	dma.local [spmem:s24], $0x1400  }
0xc2: {  	_ =	swait.ge [sflag:s2], $0x1400  }
0xc3: {  	s14 =	sadd.s32 $0x1, s14;
	s18 =	rddreg [dreg:$0x4]  }
0xc4: {  	p0 =	sne.s32 s14, s18  }
.Ltmp3:
0xc5: {  	_ = 	snop;
	(pc) =	sbr.rel @p0 .LBB2_1-.Ltmp3, $3  }
0xc6: {  	_ =	sdelay $0x1  }
0xc7: {  	[sflag:s2] =	ssyncset.done $0x0  }
0xc8: {  	[sflag:s2] =	ssyncadd.s32 $0xFFFFEC00  }
0xc9: {  	_ =	sfence.sel $0x180000  }
0xca: {  	[bflag:$0x0] =	sbarrier.arrive $0xFFFF  }
0xcb: {  	_ =	strace $0x9000004A  }
0xcc: {  	s0 =	stileid.u32;
	[bflag:$0x2] =	sbarrier.arrive $0xFFFF  }
0xcd: {  	p0 =	sne.s32 s0, $0x0;
	s0 =	rddreg [dreg:$0x2]  }
0xce: {  	s0 =	sadd.s32 @!p0 $0x100000, s0  }
0xcf: {  	[sflag:s0] =	ssyncadd.tile.s32 @!p0 $0x1;
	_ =	shalt  }
.Lfunc_end2:
_tile_overlayer_lowered:
.L_overlay_start_2:
0xd0: {  	(tag) =	ssettag $0x2  }
0xd1: {  	s0 =	rddreg [dreg:$0x0];
	s2 =	stileid.u32  }
0xd2: {  	s1 =	rddreg [dreg:$0x1];
	p0 =	sne.s32 s2, $0x0  }
0xd3: {  	s3 =	rddreg [dreg:$0x2];
	[bflag:$0x3] =	sbarrier.arrive $0xFFFF;
	s2 =	simm.s32 @!p0 $0x1C04  }
0xd4: {  	[timem:s3], [sflag:s2] =	dma.local @!p0 [hbm:s0], s1  }
0xd5: {  	s0 =	simm.s32 @!p0 $0x4  }
0xd6: {  	_ =	swait.ge @!p0 [sflag:s0], s1  }
0xd7: {  	s1 =	ssub.s32 @!p0 $0x0, s1;
	[sflag:s0] =	ssyncset.done @!p0 $0x0  }
0xd8: {  	[sflag:s0] =	ssyncadd.s32 @!p0 s1  }
0xd9: {  	[bflag:$0x3] =	sbarrier.arrive $0xFFFF  }
0xda: {  	_ =	shalt  }

</sc_bundles>
